<compile_context>
chip_gen: v7x
topology: tpu7x:2x2x1
jax: 0.10.2.dev20260603
libtpu: 0.0.44.dev20260713+nightly
codegen_flags: <defaults>
</compile_context>

<pallas_src>
import math

import jax
import jax.numpy as jnp
from jax import lax
from jax.experimental import pallas as pl
from jax.experimental.pallas import tpu as pltpu
from jax.experimental.pallas import tpu_sc as plsc

_DIM = 512
_SCALE = math.sqrt(_DIM)
_NC, _NS, _L = 2, 16, 16
_NW = _NC * _NS
_SBLK = 64


def _make_emb(n_seq, seq_len):
    B = n_seq * seq_len
    b_per_w = B // _NW
    seq_per_w = n_seq // _NW
    n_sb = seq_per_w // _SBLK
    n_chunks = seq_len * n_sb
    mesh = plsc.VectorSubcoreMesh(
        core_axis_name="c", subcore_axis_name="s",
        num_cores=_NC, num_subcores=_NS)

    def body(idx_hbm, table_hbm, out_hbm, idx_v,
             buf0, buf1, si0, si1, so0, so1):
        buf = (buf0, buf1)
        s_in = (si0, si1)
        s_out = (so0, so1)
        wid = lax.axis_index("c") * _NS + lax.axis_index("s")
        base = pl.multiple_of(wid * b_per_w, 8)
        seq0 = wid * seq_per_w
        pltpu.sync_copy(idx_hbm.at[pl.ds(base, b_per_w)], idx_v)

        def gather_start(g, b):
            off = pl.multiple_of(g * _SBLK, 8)
            pltpu.async_copy(
                table_hbm.at[idx_v.at[pl.ds(off, _SBLK)]], buf[b], s_in[b])

        def out_dst(g):
            t = g // n_sb
            sb = g % n_sb
            return out_hbm.at[pl.ds(seq0 + sb * _SBLK, _SBLK), t, :]

        gather_start(0, 0)
        gather_start(1, 1)

        def pair_body(p, carry):
            for b in range(2):
                g = p * 2 + b
                pltpu.make_async_copy(
                    table_hbm.at[idx_v.at[pl.ds(0, _SBLK)]],
                    buf[b], s_in[b]).wait()

                def row_body(i, cc):
                    for j in range(_DIM // _L):
                        sl = pl.ds(j * _L, _L)
                        buf[b][i, sl] = buf[b][i, sl] * _SCALE
                    return cc

                lax.fori_loop(0, _SBLK, row_body, 0)
                pltpu.async_copy(buf[b], out_dst(g), s_out[b])

                @pl.when(g + 2 < n_chunks)
                def _():
                    pltpu.make_async_copy(
                        buf[b], out_dst(0), s_out[b]).wait()
                    gather_start(g + 2, b)
            return carry

        lax.fori_loop(0, n_chunks // 2, pair_body, 0)
        for b in range(2):
            pltpu.make_async_copy(buf[b], out_dst(0), s_out[b]).wait()

    return pl.kernel(
        body,
        out_type=jax.ShapeDtypeStruct((n_seq, seq_len, _DIM), jnp.float32),
        mesh=mesh,
        scratch_types=[
            pltpu.VMEM((b_per_w,), jnp.int32),
            pltpu.VMEM((_SBLK, _DIM), jnp.float32),
            pltpu.VMEM((_SBLK, _DIM), jnp.float32),
            pltpu.SemaphoreType.DMA,
            pltpu.SemaphoreType.DMA,
            pltpu.SemaphoreType.DMA,
            pltpu.SemaphoreType.DMA,
        ],
    )


def kernel(x, table):
    n_seq, seq_len = x.shape
    seq_per_w = n_seq // _NW
    idx = (x.reshape(_NW, seq_per_w, seq_len)
            .transpose(0, 2, 1)
            .reshape(n_seq * seq_len))
    return _make_emb(n_seq, seq_len)(idx, table)

# --- scband reference (transcript-rebuilt; emitter-appended) ---
"""Pipeline reference for scband-token-embedding-80384607912673 (READ-ONLY COPY).

The authoritative reference and input builder live on the scoring server;
editing this copy changes nothing except your own understanding.
"""

import jax, jax.numpy as jnp
import numpy as np
import math

DIM_MODEL = 512
VOCAB_SIZE = 100000

def setup_inputs(seed: int = 0) -> dict:
    key = jax.random.key(seed)
    k1, k2 = jax.random.split(key)
    x = jax.random.randint(k1, (4096, 20), 0, VOCAB_SIZE, dtype=jnp.int64 if jax.config.jax_enable_x64 else jnp.int32)
    table = jax.random.normal(k2, (VOCAB_SIZE, DIM_MODEL), dtype=jnp.float32)
    return {"x": x, "table": table}

def reference(x, table):
    # TokenEmbedding.forward: embedding(x) * sqrt(dim_model)
    emb = jnp.take(table, x, axis=0)
    return emb * math.sqrt(DIM_MODEL)

if __name__ == "__main__":
    import jax
    _d = setup_inputs()
    print(jax.jit(kernel)(*tuple(_d.values())))

</pallas_src>

<mosaic_0001>
#map = affine_map<(d0, d1) -> (0)>
#map1 = affine_map<(d0, d1) -> (0, 0)>
#map2 = affine_map<(d0, d1) -> (0, 0, 0)>
module attributes {stable_mosaic.version = 14 : i64} {
  func.func @body(%arg0: i32, %arg1: i32, %arg2: memref<81920xi32, #tpu.memory_space<hbm>>, %arg3: memref<100000x512xf32, #tpu.memory_space<hbm>>, %arg4: memref<4096x20x512xf32, #tpu.memory_space<hbm>>, %arg5: memref<2560xi32, #tpu.memory_space<vmem>>, %arg6: memref<64x512xf32, #tpu.memory_space<vmem>>, %arg7: memref<64x512xf32, #tpu.memory_space<vmem>>, %arg8: memref<!tpu.dma_semaphore, #tpu.memory_space<semaphore_mem>>, %arg9: memref<!tpu.dma_semaphore, #tpu.memory_space<semaphore_mem>>, %arg10: memref<!tpu.dma_semaphore, #tpu.memory_space<semaphore_mem>>, %arg11: memref<!tpu.dma_semaphore, #tpu.memory_space<semaphore_mem>>) attributes {dimension_semantics = [#tpu.dimension_semantics<core_parallel>, #tpu.dimension_semantics<subcore_parallel>], iteration_bounds = array<i64: 2, 16>, scalar_prefetch = 0 : i64, scratch_operands = 7 : i64, tpu.core_type = #tpu.core_type<sc_vector_subcore>, window_params = [{transform_indices = #map}, {transform_indices = #map1}, {transform_indices = #map2}]} {
    %mul3A = arith.constant 16 : i32
    %mul3A_0 = arith.muli %arg0, %mul3A : i32
    %add3A = arith.addi %mul3A_0, %arg1 : i32
    %mul3A_1 = arith.constant 2560 : i32
    %mul3A_2 = arith.muli %add3A, %mul3A_1 : i32
    %multiple_of3A = tpu.assume_multiple %mul3A_2, 8 : i32
    %mul3A_3 = arith.constant 128 : i32
    %mul3A_4 = arith.muli %add3A, %mul3A_3 : i32
    "tpu.region"() ({
      %run_scoped3A = tpu.sem_alloc : memref<!tpu.dma_semaphore, #tpu.memory_space<semaphore_mem>>
      %dma_start3A_38 = tpu.memref_slice %arg2[%multiple_of3A] : memref<81920xi32, #tpu.memory_space<hbm>> -> memref<2560xi32, #tpu.memory_space<hbm>>
      %dma_start3A_39 = tpu.memref_slice %arg2[%multiple_of3A] : memref<81920xi32, #tpu.memory_space<hbm>> -> memref<2560xi32, #tpu.memory_space<hbm>>
      tpu.enqueue_dma source(%dma_start3A_39 : memref<2560xi32, #tpu.memory_space<hbm>>) target(%arg5 : memref<2560xi32, #tpu.memory_space<vmem>>) target_semaphore(%run_scoped3A : memref<!tpu.dma_semaphore, #tpu.memory_space<semaphore_mem>>)
      %dma_wait3A_40 = tpu.memref_slice %arg2[%multiple_of3A] : memref<81920xi32, #tpu.memory_space<hbm>> -> memref<2560xi32, #tpu.memory_space<hbm>>
      %dma_wait3A_41 = tpu.memref_slice %arg2[%multiple_of3A] : memref<81920xi32, #tpu.memory_space<hbm>> -> memref<2560xi32, #tpu.memory_space<hbm>>
      tpu.wait_dma2 semaphore(%run_scoped3A : memref<!tpu.dma_semaphore, #tpu.memory_space<semaphore_mem>>) src(%dma_wait3A_41 : memref<2560xi32, #tpu.memory_space<hbm>>) dst(%arg5 : memref<2560xi32, #tpu.memory_space<vmem>>)
      tpu.yield
    }) : () -> ()
    %multiple_of3A_5 = arith.constant 0 : i32
    %multiple_of3A_6 = tpu.assume_multiple %multiple_of3A_5, 8 : i32
    %dma_start3A = tpu.memref_slice %arg5[%multiple_of3A_6] : memref<2560xi32, #tpu.memory_space<vmem>> -> memref<64xi32, #tpu.memory_space<vmem>>
    %dma_start3A_7 = arith.constant 0 : i32
    %dma_start3A_8 = arith.constant 0 : i32
    %dma_start3A_9 = tpu.memref_slice %arg3[%dma_start3A_7, %dma_start3A_8] : memref<100000x512xf32, #tpu.memory_space<hbm>> -> memref<100000x512xf32, #tpu.memory_space<hbm>>
    tpu.enqueue_indirect_dma source(%dma_start3A_9 : memref<100000x512xf32, #tpu.memory_space<hbm>>) target(%arg6 : memref<64x512xf32, #tpu.memory_space<vmem>>) offsets(%dma_start3A : memref<64xi32, #tpu.memory_space<vmem>>) semaphore(%arg8 : memref<!tpu.dma_semaphore, #tpu.memory_space<semaphore_mem>>)
    %multiple_of3A_10 = arith.constant 64 : i32
    %multiple_of3A_11 = tpu.assume_multiple %multiple_of3A_10, 8 : i32
    %dma_start3A_12 = tpu.memref_slice %arg5[%multiple_of3A_11] : memref<2560xi32, #tpu.memory_space<vmem>> -> memref<64xi32, #tpu.memory_space<vmem>>
    %dma_start3A_13 = arith.constant 0 : i32
    %dma_start3A_14 = arith.constant 0 : i32
    %dma_start3A_15 = tpu.memref_slice %arg3[%dma_start3A_13, %dma_start3A_14] : memref<100000x512xf32, #tpu.memory_space<hbm>> -> memref<100000x512xf32, #tpu.memory_space<hbm>>
    tpu.enqueue_indirect_dma source(%dma_start3A_15 : memref<100000x512xf32, #tpu.memory_space<hbm>>) target(%arg7 : memref<64x512xf32, #tpu.memory_space<vmem>>) offsets(%dma_start3A_12 : memref<64xi32, #tpu.memory_space<vmem>>) semaphore(%arg9 : memref<!tpu.dma_semaphore, #tpu.memory_space<semaphore_mem>>)
    %scan3A = arith.constant 0 : i32
    %scan3A_16 = arith.constant 0 : i32
    %scan3A_17 = arith.constant 20 : i32
    %scan3A_18 = arith.addi %scan3A_16, %scan3A_17 : i32
    %scan3A_19 = arith.constant 1 : i32
    scf.for %scan3A_38 = %scan3A_16 to %scan3A_18 step %scan3A_19  : i32 {
      %mul3A_39 = arith.constant 2 : i32
      %mul3A_40 = arith.muli %scan3A_38, %mul3A_39 : i32
      %add3A_41 = arith.constant 0 : i32
      %add3A_42 = arith.addi %mul3A_40, %add3A_41 : i32
      %dma_wait3A_43 = arith.constant 0 : i32
      %dma_wait3A_44 = tpu.memref_slice %arg5[%dma_wait3A_43] : memref<2560xi32, #tpu.memory_space<vmem>> -> memref<64xi32, #tpu.memory_space<vmem>>
      %dma_wait3A_45 = arith.constant 0 : i32
      %dma_wait3A_46 = arith.constant 0 : i32
      %dma_wait3A_47 = tpu.memref_slice %arg3[%dma_wait3A_45, %dma_wait3A_46] : memref<100000x512xf32, #tpu.memory_space<hbm>> -> memref<100000x512xf32, #tpu.memory_space<hbm>>
      tpu.wait_indirect_dma semaphore(%arg8 : memref<!tpu.dma_semaphore, #tpu.memory_space<semaphore_mem>>) src(%dma_wait3A_47 : memref<100000x512xf32, #tpu.memory_space<hbm>>) dst(%arg6 : memref<64x512xf32, #tpu.memory_space<vmem>>)
      %scan3A_48 = arith.constant 0 : i32
      %scan3A_49 = arith.constant 0 : i32
      %scan3A_50 = arith.constant 64 : i32
      %scan3A_51 = arith.addi %scan3A_49, %scan3A_50 : i32
      %scan3A_52 = arith.constant 1 : i32
      scf.for %scan3A_169 = %scan3A_49 to %scan3A_51 step %scan3A_52  : i32 {
        %get3A = arith.index_cast %scan3A_169 : i32 to index
        %get3A_170 = arith.constant 0 : index
        %get3A_171 = tpu.vector_load %arg6[%get3A, %get3A_170] {strides = array<i32>} : memref<64x512xf32, #tpu.memory_space<vmem>>, vector<1x16xf32>,
        %get3A_172 = vector.shape_cast %get3A_171 : vector<1x16xf32> to vector<16xf32>
        %mul3A_173 = arith.constant 22.6274166 : f32
        %mul3A_174 = vector.broadcast %mul3A_173 : f32 to vector<16xf32>
        %mul3A_175 = arith.mulf %get3A_172, %mul3A_174 : vector<16xf32>
        %swap3A = arith.index_cast %scan3A_169 : i32 to index
        %swap3A_176 = arith.constant 0 : index
        %swap3A_177 = tpu.vector_load %arg6[%swap3A, %swap3A_176] {strides = array<i32>} : memref<64x512xf32, #tpu.memory_space<vmem>>, vector<1x16xf32>,
        %swap3A_178 = vector.shape_cast %swap3A_177 : vector<1x16xf32> to vector<16xf32>
        %swap3A_179 = vector.shape_cast %mul3A_175 : vector<16xf32> to vector<1x16xf32>
        tpu.vector_store %arg6[%swap3A, %swap3A_176], %swap3A_179 {strides = array<i32>} : memref<64x512xf32, #tpu.memory_space<vmem>>, vector<1x16xf32>,
        %get3A_180 = arith.index_cast %scan3A_169 : i32 to index
        %get3A_181 = arith.constant 16 : index
        %get3A_182 = tpu.vector_load %arg6[%get3A_180, %get3A_181] {strides = array<i32>} : memref<64x512xf32, #tpu.memory_space<vmem>>, vector<1x16xf32>,
        %get3A_183 = vector.shape_cast %get3A_182 : vector<1x16xf32> to vector<16xf32>
        %mul3A_184 = arith.constant 22.6274166 : f32
        %mul3A_185 = vector.broadcast %mul3A_184 : f32 to vector<16xf32>
        %mul3A_186 = arith.mulf %get3A_183, %mul3A_185 : vector<16xf32>
        %swap3A_187 = arith.index_cast %scan3A_169 : i32 to index
        %swap3A_188 = arith.constant 16 : index
        %swap3A_189 = tpu.vector_load %arg6[%swap3A_187, %swap3A_188] {strides = array<i32>} : memref<64x512xf32, #tpu.memory_space<vmem>>, vector<1x16xf32>,
        %swap3A_190 = vector.shape_cast %swap3A_189 : vector<1x16xf32> to vector<16xf32>
        %swap3A_191 = vector.shape_cast %mul3A_186 : vector<16xf32> to vector<1x16xf32>
        tpu.vector_store %arg6[%swap3A_187, %swap3A_188], %swap3A_191 {strides = array<i32>} : memref<64x512xf32, #tpu.memory_space<vmem>>, vector<1x16xf32>,
        %get3A_192 = arith.index_cast %scan3A_169 : i32 to index
        %get3A_193 = arith.constant 32 : index
        %get3A_194 = tpu.vector_load %arg6[%get3A_192, %get3A_193] {strides = array<i32>} : memref<64x512xf32, #tpu.memory_space<vmem>>, vector<1x16xf32>,
        %get3A_195 = vector.shape_cast %get3A_194 : vector<1x16xf32> to vector<16xf32>
        %mul3A_196 = arith.constant 22.6274166 : f32
        %mul3A_197 = vector.broadcast %mul3A_196 : f32 to vector<16xf32>
        %mul3A_198 = arith.mulf %get3A_195, %mul3A_197 : vector<16xf32>
        %swap3A_199 = arith.index_cast %scan3A_169 : i32 to index
        %swap3A_200 = arith.constant 32 : index
        %swap3A_201 = tpu.vector_load %arg6[%swap3A_199, %swap3A_200] {strides = array<i32>} : memref<64x512xf32, #tpu.memory_space<vmem>>, vector<1x16xf32>,
        %swap3A_202 = vector.shape_cast %swap3A_201 : vector<1x16xf32> to vector<16xf32>
        %swap3A_203 = vector.shape_cast %mul3A_198 : vector<16xf32> to vector<1x16xf32>
        tpu.vector_store %arg6[%swap3A_199, %swap3A_200], %swap3A_203 {strides = array<i32>} : memref<64x512xf32, #tpu.memory_space<vmem>>, vector<1x16xf32>,
        %get3A_204 = arith.index_cast %scan3A_169 : i32 to index
        %get3A_205 = arith.constant 48 : index
        %get3A_206 = tpu.vector_load %arg6[%get3A_204, %get3A_205] {strides = array<i32>} : memref<64x512xf32, #tpu.memory_space<vmem>>, vector<1x16xf32>,
        %get3A_207 = vector.shape_cast %get3A_206 : vector<1x16xf32> to vector<16xf32>
        %mul3A_208 = arith.constant 22.6274166 : f32
        %mul3A_209 = vector.broadcast %mul3A_208 : f32 to vector<16xf32>
        %mul3A_210 = arith.mulf %get3A_207, %mul3A_209 : vector<16xf32>
        %swap3A_211 = arith.index_cast %scan3A_169 : i32 to index
        %swap3A_212 = arith.constant 48 : index
        %swap3A_213 = tpu.vector_load %arg6[%swap3A_211, %swap3A_212] {strides = array<i32>} : memref<64x512xf32, #tpu.memory_space<vmem>>, vector<1x16xf32>,
        %swap3A_214 = vector.shape_cast %swap3A_213 : vector<1x16xf32> to vector<16xf32>
        %swap3A_215 = vector.shape_cast %mul3A_210 : vector<16xf32> to vector<1x16xf32>
        tpu.vector_store %arg6[%swap3A_211, %swap3A_212], %swap3A_215 {strides = array<i32>} : memref<64x512xf32, #tpu.memory_space<vmem>>, vector<1x16xf32>,
        %get3A_216 = arith.index_cast %scan3A_169 : i32 to index
        %get3A_217 = arith.constant 64 : index
        %get3A_218 = tpu.vector_load %arg6[%get3A_216, %get3A_217] {strides = array<i32>} : memref<64x512xf32, #tpu.memory_space<vmem>>, vector<1x16xf32>,
        %get3A_219 = vector.shape_cast %get3A_218 : vector<1x16xf32> to vector<16xf32>
        %mul3A_220 = arith.constant 22.6274166 : f32
        %mul3A_221 = vector.broadcast %mul3A_220 : f32 to vector<16xf32>
        %mul3A_222 = arith.mulf %get3A_219, %mul3A_221 : vector<16xf32>
        %swap3A_223 = arith.index_cast %scan3A_169 : i32 to index
        %swap3A_224 = arith.constant 64 : index
        %swap3A_225 = tpu.vector_load %arg6[%swap3A_223, %swap3A_224] {strides = array<i32>} : memref<64x512xf32, #tpu.memory_space<vmem>>, vector<1x16xf32>,
        %swap3A_226 = vector.shape_cast %swap3A_225 : vector<1x16xf32> to vector<16xf32>
        %swap3A_227 = vector.shape_cast %mul3A_222 : vector<16xf32> to vector<1x16xf32>
        tpu.vector_store %arg6[%swap3A_223, %swap3A_224], %swap3A_227 {strides = array<i32>} : memref<64x512xf32, #tpu.memory_space<vmem>>, vector<1x16xf32>,
        %get3A_228 = arith.index_cast %scan3A_169 : i32 to index
        %get3A_229 = arith.constant 80 : index
        %get3A_230 = tpu.vector_load %arg6[%get3A_228, %get3A_229] {strides = array<i32>} : memref<64x512xf32, #tpu.memory_space<vmem>>, vector<1x16xf32>,
        %get3A_231 = vector.shape_cast %get3A_230 : vector<1x16xf32> to vector<16xf32>
        %mul3A_232 = arith.constant 22.6274166 : f32
        %mul3A_233 = vector.broadcast %mul3A_232 : f32 to vector<16xf32>
        %mul3A_234 = arith.mulf %get3A_231, %mul3A_233 : vector<16xf32>
        %swap3A_235 = arith.index_cast %scan3A_169 : i32 to index
        %swap3A_236 = arith.constant 80 : index
        %swap3A_237 = tpu.vector_load %arg6[%swap3A_235, %swap3A_236] {strides = array<i32>} : memref<64x512xf32, #tpu.memory_space<vmem>>, vector<1x16xf32>,
        %swap3A_238 = vector.shape_cast %swap3A_237 : vector<1x16xf32> to vector<16xf32>
        %swap3A_239 = vector.shape_cast %mul3A_234 : vector<16xf32> to vector<1x16xf32>
        tpu.vector_store %arg6[%swap3A_235, %swap3A_236], %swap3A_239 {strides = array<i32>} : memref<64x512xf32, #tpu.memory_space<vmem>>, vector<1x16xf32>,
        %get3A_240 = arith.index_cast %scan3A_169 : i32 to index
        %get3A_241 = arith.constant 96 : index
        %get3A_242 = tpu.vector_load %arg6[%get3A_240, %get3A_241] {strides = array<i32>} : memref<64x512xf32, #tpu.memory_space<vmem>>, vector<1x16xf32>,
        %get3A_243 = vector.shape_cast %get3A_242 : vector<1x16xf32> to vector<16xf32>
        %mul3A_244 = arith.constant 22.6274166 : f32
        %mul3A_245 = vector.broadcast %mul3A_244 : f32 to vector<16xf32>
        %mul3A_246 = arith.mulf %get3A_243, %mul3A_245 : vector<16xf32>
        %swap3A_247 = arith.index_cast %scan3A_169 : i32 to index
        %swap3A_248 = arith.constant 96 : index
        %swap3A_249 = tpu.vector_load %arg6[%swap3A_247, %swap3A_248] {strides = array<i32>} : memref<64x512xf32, #tpu.memory_space<vmem>>, vector<1x16xf32>,
        %swap3A_250 = vector.shape_cast %swap3A_249 : vector<1x16xf32> to vector<16xf32>
        %swap3A_251 = vector.shape_cast %mul3A_246 : vector<16xf32> to vector<1x16xf32>
        tpu.vector_store %arg6[%swap3A_247, %swap3A_248], %swap3A_251 {strides = array<i32>} : memref<64x512xf32, #tpu.memory_space<vmem>>, vector<1x16xf32>,
        %get3A_252 = arith.index_cast %scan3A_169 : i32 to index
        %get3A_253 = arith.constant 112 : index
        %get3A_254 = tpu.vector_load %arg6[%get3A_252, %get3A_253] {strides = array<i32>} : memref<64x512xf32, #tpu.memory_space<vmem>>, vector<1x16xf32>,
        %get3A_255 = vector.shape_cast %get3A_254 : vector<1x16xf32> to vector<16xf32>
        %mul3A_256 = arith.constant 22.6274166 : f32
        %mul3A_257 = vector.broadcast %mul3A_256 : f32 to vector<16xf32>
        %mul3A_258 = arith.mulf %get3A_255, %mul3A_257 : vector<16xf32>
        %swap3A_259 = arith.index_cast %scan3A_169 : i32 to index
        %swap3A_260 = arith.constant 112 : index
        %swap3A_261 = tpu.vector_load %arg6[%swap3A_259, %swap3A_260] {strides = array<i32>} : memref<64x512xf32, #tpu.memory_space<vmem>>, vector<1x16xf32>,
        %swap3A_262 = vector.shape_cast %swap3A_261 : vector<1x16xf32> to vector<16xf32>
        %swap3A_263 = vector.shape_cast %mul3A_258 : vector<16xf32> to vector<1x16xf32>
        tpu.vector_store %arg6[%swap3A_259, %swap3A_260], %swap3A_263 {strides = array<i32>} : memref<64x512xf32, #tpu.memory_space<vmem>>, vector<1x16xf32>,
        %get3A_264 = arith.index_cast %scan3A_169 : i32 to index
        %get3A_265 = arith.constant 128 : index
        %get3A_266 = tpu.vector_load %arg6[%get3A_264, %get3A_265] {strides = array<i32>} : memref<64x512xf32, #tpu.memory_space<vmem>>, vector<1x16xf32>,
        %get3A_267 = vector.shape_cast %get3A_266 : vector<1x16xf32> to vector<16xf32>
        %mul3A_268 = arith.constant 22.6274166 : f32
        %mul3A_269 = vector.broadcast %mul3A_268 : f32 to vector<16xf32>
        %mul3A_270 = arith.mulf %get3A_267, %mul3A_269 : vector<16xf32>
        %swap3A_271 = arith.index_cast %scan3A_169 : i32 to index
        %swap3A_272 = arith.constant 128 : index
        %swap3A_273 = tpu.vector_load %arg6[%swap3A_271, %swap3A_272] {strides = array<i32>} : memref<64x512xf32, #tpu.memory_space<vmem>>, vector<1x16xf32>,
        %swap3A_274 = vector.shape_cast %swap3A_273 : vector<1x16xf32> to vector<16xf32>
        %swap3A_275 = vector.shape_cast %mul3A_270 : vector<16xf32> to vector<1x16xf32>
        tpu.vector_store %arg6[%swap3A_271, %swap3A_272], %swap3A_275 {strides = array<i32>} : memref<64x512xf32, #tpu.memory_space<vmem>>, vector<1x16xf32>,
        %get3A_276 = arith.index_cast %scan3A_169 : i32 to index
        %get3A_277 = arith.constant 144 : index
        %get3A_278 = tpu.vector_load %arg6[%get3A_276, %get3A_277] {strides = array<i32>} : memref<64x512xf32, #tpu.memory_space<vmem>>, vector<1x16xf32>,
        %get3A_279 = vector.shape_cast %get3A_278 : vector<1x16xf32> to vector<16xf32>
        %mul3A_280 = arith.constant 22.6274166 : f32
        %mul3A_281 = vector.broadcast %mul3A_280 : f32 to vector<16xf32>
        %mul3A_282 = arith.mulf %get3A_279, %mul3A_281 : vector<16xf32>
        %swap3A_283 = arith.index_cast %scan3A_169 : i32 to index
        %swap3A_284 = arith.constant 144 : index
        %swap3A_285 = tpu.vector_load %arg6[%swap3A_283, %swap3A_284] {strides = array<i32>} : memref<64x512xf32, #tpu.memory_space<vmem>>, vector<1x16xf32>,
        %swap3A_286 = vector.shape_cast %swap3A_285 : vector<1x16xf32> to vector<16xf32>
        %swap3A_287 = vector.shape_cast %mul3A_282 : vector<16xf32> to vector<1x16xf32>
        tpu.vector_store %arg6[%swap3A_283, %swap3A_284], %swap3A_287 {strides = array<i32>} : memref<64x512xf32, #tpu.memory_space<vmem>>, vector<1x16xf32>,
        %get3A_288 = arith.index_cast %scan3A_169 : i32 to index
        %get3A_289 = arith.constant 160 : index
        %get3A_290 = tpu.vector_load %arg6[%get3A_288, %get3A_289] {strides = array<i32>} : memref<64x512xf32, #tpu.memory_space<vmem>>, vector<1x16xf32>,
        %get3A_291 = vector.shape_cast %get3A_290 : vector<1x16xf32> to vector<16xf32>
        %mul3A_292 = arith.constant 22.6274166 : f32
        %mul3A_293 = vector.broadcast %mul3A_292 : f32 to vector<16xf32>
        %mul3A_294 = arith.mulf %get3A_291, %mul3A_293 : vector<16xf32>
        %swap3A_295 = arith.index_cast %scan3A_169 : i32 to index
        %swap3A_296 = arith.constant 160 : index
        %swap3A_297 = tpu.vector_load %arg6[%swap3A_295, %swap3A_296] {strides = array<i32>} : memref<64x512xf32, #tpu.memory_space<vmem>>, vector<1x16xf32>,
        %swap3A_298 = vector.shape_cast %swap3A_297 : vector<1x16xf32> to vector<16xf32>
        %swap3A_299 = vector.shape_cast %mul3A_294 : vector<16xf32> to vector<1x16xf32>
        tpu.vector_store %arg6[%swap3A_295, %swap3A_296], %swap3A_299 {strides = array<i32>} : memref<64x512xf32, #tpu.memory_space<vmem>>, vector<1x16xf32>,
        %get3A_300 = arith.index_cast %scan3A_169 : i32 to index
        %get3A_301 = arith.constant 176 : index
        %get3A_302 = tpu.vector_load %arg6[%get3A_300, %get3A_301] {strides = array<i32>} : memref<64x512xf32, #tpu.memory_space<vmem>>, vector<1x16xf32>,
        %get3A_303 = vector.shape_cast %get3A_302 : vector<1x16xf32> to vector<16xf32>
        %mul3A_304 = arith.constant 22.6274166 : f32
        %mul3A_305 = vector.broadcast %mul3A_304 : f32 to vector<16xf32>
        %mul3A_306 = arith.mulf %get3A_303, %mul3A_305 : vector<16xf32>
        %swap3A_307 = arith.index_cast %scan3A_169 : i32 to index
        %swap3A_308 = arith.constant 176 : index
        %swap3A_309 = tpu.vector_load %arg6[%swap3A_307, %swap3A_308] {strides = array<i32>} : memref<64x512xf32, #tpu.memory_space<vmem>>, vector<1x16xf32>,
        %swap3A_310 = vector.shape_cast %swap3A_309 : vector<1x16xf32> to vector<16xf32>
        %swap3A_311 = vector.shape_cast %mul3A_306 : vector<16xf32> to vector<1x16xf32>
        tpu.vector_store %arg6[%swap3A_307, %swap3A_308], %swap3A_311 {strides = array<i32>} : memref<64x512xf32, #tpu.memory_space<vmem>>, vector<1x16xf32>,
        %get3A_312 = arith.index_cast %scan3A_169 : i32 to index
        %get3A_313 = arith.constant 192 : index
        %get3A_314 = tpu.vector_load %arg6[%get3A_312, %get3A_313] {strides = array<i32>} : memref<64x512xf32, #tpu.memory_space<vmem>>, vector<1x16xf32>,
        %get3A_315 = vector.shape_cast %get3A_314 : vector<1x16xf32> to vector<16xf32>
        %mul3A_316 = arith.constant 22.6274166 : f32
        %mul3A_317 = vector.broadcast %mul3A_316 : f32 to vector<16xf32>
        %mul3A_318 = arith.mulf %get3A_315, %mul3A_317 : vector<16xf32>
        %swap3A_319 = arith.index_cast %scan3A_169 : i32 to index
        %swap3A_320 = arith.constant 192 : index
        %swap3A_321 = tpu.vector_load %arg6[%swap3A_319, %swap3A_320] {strides = array<i32>} : memref<64x512xf32, #tpu.memory_space<vmem>>, vector<1x16xf32>,
        %swap3A_322 = vector.shape_cast %swap3A_321 : vector<1x16xf32> to vector<16xf32>
        %swap3A_323 = vector.shape_cast %mul3A_318 : vector<16xf32> to vector<1x16xf32>
        tpu.vector_store %arg6[%swap3A_319, %swap3A_320], %swap3A_323 {strides = array<i32>} : memref<64x512xf32, #tpu.memory_space<vmem>>, vector<1x16xf32>,
        %get3A_324 = arith.index_cast %scan3A_169 : i32 to index
        %get3A_325 = arith.constant 208 : index
        %get3A_326 = tpu.vector_load %arg6[%get3A_324, %get3A_325] {strides = array<i32>} : memref<64x512xf32, #tpu.memory_space<vmem>>, vector<1x16xf32>,
        %get3A_327 = vector.shape_cast %get3A_326 : vector<1x16xf32> to vector<16xf32>
        %mul3A_328 = arith.constant 22.6274166 : f32
        %mul3A_329 = vector.broadcast %mul3A_328 : f32 to vector<16xf32>
        %mul3A_330 = arith.mulf %get3A_327, %mul3A_329 : vector<16xf32>
        %swap3A_331 = arith.index_cast %scan3A_169 : i32 to index
        %swap3A_332 = arith.constant 208 : index
        %swap3A_333 = tpu.vector_load %arg6[%swap3A_331, %swap3A_332] {strides = array<i32>} : memref<64x512xf32, #tpu.memory_space<vmem>>, vector<1x16xf32>,
        %swap3A_334 = vector.shape_cast %swap3A_333 : vector<1x16xf32> to vector<16xf32>
        %swap3A_335 = vector.shape_cast %mul3A_330 : vector<16xf32> to vector<1x16xf32>
        tpu.vector_store %arg6[%swap3A_331, %swap3A_332], %swap3A_335 {strides = array<i32>} : memref<64x512xf32, #tpu.memory_space<vmem>>, vector<1x16xf32>,
        %get3A_336 = arith.index_cast %scan3A_169 : i32 to index
        %get3A_337 = arith.constant 224 : index
        %get3A_338 = tpu.vector_load %arg6[%get3A_336, %get3A_337] {strides = array<i32>} : memref<64x512xf32, #tpu.memory_space<vmem>>, vector<1x16xf32>,
        %get3A_339 = vector.shape_cast %get3A_338 : vector<1x16xf32> to vector<16xf32>
        %mul3A_340 = arith.constant 22.6274166 : f32
        %mul3A_341 = vector.broadcast %mul3A_340 : f32 to vector<16xf32>
        %mul3A_342 = arith.mulf %get3A_339, %mul3A_341 : vector<16xf32>
        %swap3A_343 = arith.index_cast %scan3A_169 : i32 to index
        %swap3A_344 = arith.constant 224 : index
        %swap3A_345 = tpu.vector_load %arg6[%swap3A_343, %swap3A_344] {strides = array<i32>} : memref<64x512xf32, #tpu.memory_space<vmem>>, vector<1x16xf32>,
        %swap3A_346 = vector.shape_cast %swap3A_345 : vector<1x16xf32> to vector<16xf32>
        %swap3A_347 = vector.shape_cast %mul3A_342 : vector<16xf32> to vector<1x16xf32>
        tpu.vector_store %arg6[%swap3A_343, %swap3A_344], %swap3A_347 {strides = array<i32>} : memref<64x512xf32, #tpu.memory_space<vmem>>, vector<1x16xf32>,
        %get3A_348 = arith.index_cast %scan3A_169 : i32 to index
        %get3A_349 = arith.constant 240 : index
        %get3A_350 = tpu.vector_load %arg6[%get3A_348, %get3A_349] {strides = array<i32>} : memref<64x512xf32, #tpu.memory_space<vmem>>, vector<1x16xf32>,
        %get3A_351 = vector.shape_cast %get3A_350 : vector<1x16xf32> to vector<16xf32>
        %mul3A_352 = arith.constant 22.6274166 : f32
        %mul3A_353 = vector.broadcast %mul3A_352 : f32 to vector<16xf32>
        %mul3A_354 = arith.mulf %get3A_351, %mul3A_353 : vector<16xf32>
        %swap3A_355 = arith.index_cast %scan3A_169 : i32 to index
        %swap3A_356 = arith.constant 240 : index
        %swap3A_357 = tpu.vector_load %arg6[%swap3A_355, %swap3A_356] {strides = array<i32>} : memref<64x512xf32, #tpu.memory_space<vmem>>, vector<1x16xf32>,
        %swap3A_358 = vector.shape_cast %swap3A_357 : vector<1x16xf32> to vector<16xf32>
        %swap3A_359 = vector.shape_cast %mul3A_354 : vector<16xf32> to vector<1x16xf32>
        tpu.vector_store %arg6[%swap3A_355, %swap3A_356], %swap3A_359 {strides = array<i32>} : memref<64x512xf32, #tpu.memory_space<vmem>>, vector<1x16xf32>,
        %get3A_360 = arith.index_cast %scan3A_169 : i32 to index
        %get3A_361 = arith.constant 256 : index
        %get3A_362 = tpu.vector_load %arg6[%get3A_360, %get3A_361] {strides = array<i32>} : memref<64x512xf32, #tpu.memory_space<vmem>>, vector<1x16xf32>,
        %get3A_363 = vector.shape_cast %get3A_362 : vector<1x16xf32> to vector<16xf32>
        %mul3A_364 = arith.constant 22.6274166 : f32
        %mul3A_365 = vector.broadcast %mul3A_364 : f32 to vector<16xf32>
        %mul3A_366 = arith.mulf %get3A_363, %mul3A_365 : vector<16xf32>
        %swap3A_367 = arith.index_cast %scan3A_169 : i32 to index
        %swap3A_368 = arith.constant 256 : index
        %swap3A_369 = tpu.vector_load %arg6[%swap3A_367, %swap3A_368] {strides = array<i32>} : memref<64x512xf32, #tpu.memory_space<vmem>>, vector<1x16xf32>,
        %swap3A_370 = vector.shape_cast %swap3A_369 : vector<1x16xf32> to vector<16xf32>
        %swap3A_371 = vector.shape_cast %mul3A_366 : vector<16xf32> to vector<1x16xf32>
        tpu.vector_store %arg6[%swap3A_367, %swap3A_368], %swap3A_371 {strides = array<i32>} : memref<64x512xf32, #tpu.memory_space<vmem>>, vector<1x16xf32>,
        %get3A_372 = arith.index_cast %scan3A_169 : i32 to index
        %get3A_373 = arith.constant 272 : index
        %get3A_374 = tpu.vector_load %arg6[%get3A_372, %get3A_373] {strides = array<i32>} : memref<64x512xf32, #tpu.memory_space<vmem>>, vector<1x16xf32>,
        %get3A_375 = vector.shape_cast %get3A_374 : vector<1x16xf32> to vector<16xf32>
        %mul3A_376 = arith.constant 22.6274166 : f32
        %mul3A_377 = vector.broadcast %mul3A_376 : f32 to vector<16xf32>
        %mul3A_378 = arith.mulf %get3A_375, %mul3A_377 : vector<16xf32>
        %swap3A_379 = arith.index_cast %scan3A_169 : i32 to index
        %swap3A_380 = arith.constant 272 : index
        %swap3A_381 = tpu.vector_load %arg6[%swap3A_379, %swap3A_380] {strides = array<i32>} : memref<64x512xf32, #tpu.memory_space<vmem>>, vector<1x16xf32>,
        %swap3A_382 = vector.shape_cast %swap3A_381 : vector<1x16xf32> to vector<16xf32>
        %swap3A_383 = vector.shape_cast %mul3A_378 : vector<16xf32> to vector<1x16xf32>
        tpu.vector_store %arg6[%swap3A_379, %swap3A_380], %swap3A_383 {strides = array<i32>} : memref<64x512xf32, #tpu.memory_space<vmem>>, vector<1x16xf32>,
        %get3A_384 = arith.index_cast %scan3A_169 : i32 to index
        %get3A_385 = arith.constant 288 : index
        %get3A_386 = tpu.vector_load %arg6[%get3A_384, %get3A_385] {strides = array<i32>} : memref<64x512xf32, #tpu.memory_space<vmem>>, vector<1x16xf32>,
        %get3A_387 = vector.shape_cast %get3A_386 : vector<1x16xf32> to vector<16xf32>
        %mul3A_388 = arith.constant 22.6274166 : f32
        %mul3A_389 = vector.broadcast %mul3A_388 : f32 to vector<16xf32>
        %mul3A_390 = arith.mulf %get3A_387, %mul3A_389 : vector<16xf32>
        %swap3A_391 = arith.index_cast %scan3A_169 : i32 to index
        %swap3A_392 = arith.constant 288 : index
        %swap3A_393 = tpu.vector_load %arg6[%swap3A_391, %swap3A_392] {strides = array<i32>} : memref<64x512xf32, #tpu.memory_space<vmem>>, vector<1x16xf32>,
        %swap3A_394 = vector.shape_cast %swap3A_393 : vector<1x16xf32> to vector<16xf32>
        %swap3A_395 = vector.shape_cast %mul3A_390 : vector<16xf32> to vector<1x16xf32>
        tpu.vector_store %arg6[%swap3A_391, %swap3A_392], %swap3A_395 {strides = array<i32>} : memref<64x512xf32, #tpu.memory_space<vmem>>, vector<1x16xf32>,
        %get3A_396 = arith.index_cast %scan3A_169 : i32 to index
        %get3A_397 = arith.constant 304 : index
        %get3A_398 = tpu.vector_load %arg6[%get3A_396, %get3A_397] {strides = array<i32>} : memref<64x512xf32, #tpu.memory_space<vmem>>, vector<1x16xf32>,
        %get3A_399 = vector.shape_cast %get3A_398 : vector<1x16xf32> to vector<16xf32>
        %mul3A_400 = arith.constant 22.6274166 : f32
        %mul3A_401 = vector.broadcast %mul3A_400 : f32 to vector<16xf32>
        %mul3A_402 = arith.mulf %get3A_399, %mul3A_401 : vector<16xf32>
        %swap3A_403 = arith.index_cast %scan3A_169 : i32 to index
        %swap3A_404 = arith.constant 304 : index
        %swap3A_405 = tpu.vector_load %arg6[%swap3A_403, %swap3A_404] {strides = array<i32>} : memref<64x512xf32, #tpu.memory_space<vmem>>, vector<1x16xf32>,
        %swap3A_406 = vector.shape_cast %swap3A_405 : vector<1x16xf32> to vector<16xf32>
        %swap3A_407 = vector.shape_cast %mul3A_402 : vector<16xf32> to vector<1x16xf32>
        tpu.vector_store %arg6[%swap3A_403, %swap3A_404], %swap3A_407 {strides = array<i32>} : memref<64x512xf32, #tpu.memory_space<vmem>>, vector<1x16xf32>,
        %get3A_408 = arith.index_cast %scan3A_169 : i32 to index
        %get3A_409 = arith.constant 320 : index
        %get3A_410 = tpu.vector_load %arg6[%get3A_408, %get3A_409] {strides = array<i32>} : memref<64x512xf32, #tpu.memory_space<vmem>>, vector<1x16xf32>,
        %get3A_411 = vector.shape_cast %get3A_410 : vector<1x16xf32> to vector<16xf32>
        %mul3A_412 = arith.constant 22.6274166 : f32
        %mul3A_413 = vector.broadcast %mul3A_412 : f32 to vector<16xf32>
        %mul3A_414 = arith.mulf %get3A_411, %mul3A_413 : vector<16xf32>
        %swap3A_415 = arith.index_cast %scan3A_169 : i32 to index
        %swap3A_416 = arith.constant 320 : index
        %swap3A_417 = tpu.vector_load %arg6[%swap3A_415, %swap3A_416] {strides = array<i32>} : memref<64x512xf32, #tpu.memory_space<vmem>>, vector<1x16xf32>,
        %swap3A_418 = vector.shape_cast %swap3A_417 : vector<1x16xf32> to vector<16xf32>
        %swap3A_419 = vector.shape_cast %mul3A_414 : vector<16xf32> to vector<1x16xf32>
        tpu.vector_store %arg6[%swap3A_415, %swap3A_416], %swap3A_419 {strides = array<i32>} : memref<64x512xf32, #tpu.memory_space<vmem>>, vector<1x16xf32>,
        %get3A_420 = arith.index_cast %scan3A_169 : i32 to index
        %get3A_421 = arith.constant 336 : index
        %get3A_422 = tpu.vector_load %arg6[%get3A_420, %get3A_421] {strides = array<i32>} : memref<64x512xf32, #tpu.memory_space<vmem>>, vector<1x16xf32>,
        %get3A_423 = vector.shape_cast %get3A_422 : vector<1x16xf32> to vector<16xf32>
        %mul3A_424 = arith.constant 22.6274166 : f32
        %mul3A_425 = vector.broadcast %mul3A_424 : f32 to vector<16xf32>
        %mul3A_426 = arith.mulf %get3A_423, %mul3A_425 : vector<16xf32>
        %swap3A_427 = arith.index_cast %scan3A_169 : i32 to index
        %swap3A_428 = arith.constant 336 : index
        %swap3A_429 = tpu.vector_load %arg6[%swap3A_427, %swap3A_428] {strides = array<i32>} : memref<64x512xf32, #tpu.memory_space<vmem>>, vector<1x16xf32>,
        %swap3A_430 = vector.shape_cast %swap3A_429 : vector<1x16xf32> to vector<16xf32>
        %swap3A_431 = vector.shape_cast %mul3A_426 : vector<16xf32> to vector<1x16xf32>
        tpu.vector_store %arg6[%swap3A_427, %swap3A_428], %swap3A_431 {strides = array<i32>} : memref<64x512xf32, #tpu.memory_space<vmem>>, vector<1x16xf32>,
        %get3A_432 = arith.index_cast %scan3A_169 : i32 to index
        %get3A_433 = arith.constant 352 : index
        %get3A_434 = tpu.vector_load %arg6[%get3A_432, %get3A_433] {strides = array<i32>} : memref<64x512xf32, #tpu.memory_space<vmem>>, vector<1x16xf32>,
        %get3A_435 = vector.shape_cast %get3A_434 : vector<1x16xf32> to vector<16xf32>
        %mul3A_436 = arith.constant 22.6274166 : f32
        %mul3A_437 = vector.broadcast %mul3A_436 : f32 to vector<16xf32>
        %mul3A_438 = arith.mulf %get3A_435, %mul3A_437 : vector<16xf32>
        %swap3A_439 = arith.index_cast %scan3A_169 : i32 to index
        %swap3A_440 = arith.constant 352 : index
        %swap3A_441 = tpu.vector_load %arg6[%swap3A_439, %swap3A_440] {strides = array<i32>} : memref<64x512xf32, #tpu.memory_space<vmem>>, vector<1x16xf32>,
        %swap3A_442 = vector.shape_cast %swap3A_441 : vector<1x16xf32> to vector<16xf32>
        %swap3A_443 = vector.shape_cast %mul3A_438 : vector<16xf32> to vector<1x16xf32>
        tpu.vector_store %arg6[%swap3A_439, %swap3A_440], %swap3A_443 {strides = array<i32>} : memref<64x512xf32, #tpu.memory_space<vmem>>, vector<1x16xf32>,
        %get3A_444 = arith.index_cast %scan3A_169 : i32 to index
        %get3A_445 = arith.constant 368 : index
        %get3A_446 = tpu.vector_load %arg6[%get3A_444, %get3A_445] {strides = array<i32>} : memref<64x512xf32, #tpu.memory_space<vmem>>, vector<1x16xf32>,
        %get3A_447 = vector.shape_cast %get3A_446 : vector<1x16xf32> to vector<16xf32>
        %mul3A_448 = arith.constant 22.6274166 : f32
        %mul3A_449 = vector.broadcast %mul3A_448 : f32 to vector<16xf32>
        %mul3A_450 = arith.mulf %get3A_447, %mul3A_449 : vector<16xf32>
        %swap3A_451 = arith.index_cast %scan3A_169 : i32 to index
        %swap3A_452 = arith.constant 368 : index
        %swap3A_453 = tpu.vector_load %arg6[%swap3A_451, %swap3A_452] {strides = array<i32>} : memref<64x512xf32, #tpu.memory_space<vmem>>, vector<1x16xf32>,
        %swap3A_454 = vector.shape_cast %swap3A_453 : vector<1x16xf32> to vector<16xf32>
        %swap3A_455 = vector.shape_cast %mul3A_450 : vector<16xf32> to vector<1x16xf32>
        tpu.vector_store %arg6[%swap3A_451, %swap3A_452], %swap3A_455 {strides = array<i32>} : memref<64x512xf32, #tpu.memory_space<vmem>>, vector<1x16xf32>,
        %get3A_456 = arith.index_cast %scan3A_169 : i32 to index
        %get3A_457 = arith.constant 384 : index
        %get3A_458 = tpu.vector_load %arg6[%get3A_456, %get3A_457] {strides = array<i32>} : memref<64x512xf32, #tpu.memory_space<vmem>>, vector<1x16xf32>,
        %get3A_459 = vector.shape_cast %get3A_458 : vector<1x16xf32> to vector<16xf32>
        %mul3A_460 = arith.constant 22.6274166 : f32
        %mul3A_461 = vector.broadcast %mul3A_460 : f32 to vector<16xf32>
        %mul3A_462 = arith.mulf %get3A_459, %mul3A_461 : vector<16xf32>
        %swap3A_463 = arith.index_cast %scan3A_169 : i32 to index
        %swap3A_464 = arith.constant 384 : index
        %swap3A_465 = tpu.vector_load %arg6[%swap3A_463, %swap3A_464] {strides = array<i32>} : memref<64x512xf32, #tpu.memory_space<vmem>>, vector<1x16xf32>,
        %swap3A_466 = vector.shape_cast %swap3A_465 : vector<1x16xf32> to vector<16xf32>
        %swap3A_467 = vector.shape_cast %mul3A_462 : vector<16xf32> to vector<1x16xf32>
        tpu.vector_store %arg6[%swap3A_463, %swap3A_464], %swap3A_467 {strides = array<i32>} : memref<64x512xf32, #tpu.memory_space<vmem>>, vector<1x16xf32>,
        %get3A_468 = arith.index_cast %scan3A_169 : i32 to index
        %get3A_469 = arith.constant 400 : index
        %get3A_470 = tpu.vector_load %arg6[%get3A_468, %get3A_469] {strides = array<i32>} : memref<64x512xf32, #tpu.memory_space<vmem>>, vector<1x16xf32>,
        %get3A_471 = vector.shape_cast %get3A_470 : vector<1x16xf32> to vector<16xf32>
        %mul3A_472 = arith.constant 22.6274166 : f32
        %mul3A_473 = vector.broadcast %mul3A_472 : f32 to vector<16xf32>
        %mul3A_474 = arith.mulf %get3A_471, %mul3A_473 : vector<16xf32>
        %swap3A_475 = arith.index_cast %scan3A_169 : i32 to index
        %swap3A_476 = arith.constant 400 : index
        %swap3A_477 = tpu.vector_load %arg6[%swap3A_475, %swap3A_476] {strides = array<i32>} : memref<64x512xf32, #tpu.memory_space<vmem>>, vector<1x16xf32>,
        %swap3A_478 = vector.shape_cast %swap3A_477 : vector<1x16xf32> to vector<16xf32>
        %swap3A_479 = vector.shape_cast %mul3A_474 : vector<16xf32> to vector<1x16xf32>
        tpu.vector_store %arg6[%swap3A_475, %swap3A_476], %swap3A_479 {strides = array<i32>} : memref<64x512xf32, #tpu.memory_space<vmem>>, vector<1x16xf32>,
        %get3A_480 = arith.index_cast %scan3A_169 : i32 to index
        %get3A_481 = arith.constant 416 : index
        %get3A_482 = tpu.vector_load %arg6[%get3A_480, %get3A_481] {strides = array<i32>} : memref<64x512xf32, #tpu.memory_space<vmem>>, vector<1x16xf32>,
        %get3A_483 = vector.shape_cast %get3A_482 : vector<1x16xf32> to vector<16xf32>
        %mul3A_484 = arith.constant 22.6274166 : f32
        %mul3A_485 = vector.broadcast %mul3A_484 : f32 to vector<16xf32>
        %mul3A_486 = arith.mulf %get3A_483, %mul3A_485 : vector<16xf32>
        %swap3A_487 = arith.index_cast %scan3A_169 : i32 to index
        %swap3A_488 = arith.constant 416 : index
        %swap3A_489 = tpu.vector_load %arg6[%swap3A_487, %swap3A_488] {strides = array<i32>} : memref<64x512xf32, #tpu.memory_space<vmem>>, vector<1x16xf32>,
        %swap3A_490 = vector.shape_cast %swap3A_489 : vector<1x16xf32> to vector<16xf32>
        %swap3A_491 = vector.shape_cast %mul3A_486 : vector<16xf32> to vector<1x16xf32>
        tpu.vector_store %arg6[%swap3A_487, %swap3A_488], %swap3A_491 {strides = array<i32>} : memref<64x512xf32, #tpu.memory_space<vmem>>, vector<1x16xf32>,
        %get3A_492 = arith.index_cast %scan3A_169 : i32 to index
        %get3A_493 = arith.constant 432 : index
        %get3A_494 = tpu.vector_load %arg6[%get3A_492, %get3A_493] {strides = array<i32>} : memref<64x512xf32, #tpu.memory_space<vmem>>, vector<1x16xf32>,
        %get3A_495 = vector.shape_cast %get3A_494 : vector<1x16xf32> to vector<16xf32>
        %mul3A_496 = arith.constant 22.6274166 : f32
        %mul3A_497 = vector.broadcast %mul3A_496 : f32 to vector<16xf32>
        %mul3A_498 = arith.mulf %get3A_495, %mul3A_497 : vector<16xf32>
        %swap3A_499 = arith.index_cast %scan3A_169 : i32 to index
        %swap3A_500 = arith.constant 432 : index
        %swap3A_501 = tpu.vector_load %arg6[%swap3A_499, %swap3A_500] {strides = array<i32>} : memref<64x512xf32, #tpu.memory_space<vmem>>, vector<1x16xf32>,
        %swap3A_502 = vector.shape_cast %swap3A_501 : vector<1x16xf32> to vector<16xf32>
        %swap3A_503 = vector.shape_cast %mul3A_498 : vector<16xf32> to vector<1x16xf32>
        tpu.vector_store %arg6[%swap3A_499, %swap3A_500], %swap3A_503 {strides = array<i32>} : memref<64x512xf32, #tpu.memory_space<vmem>>, vector<1x16xf32>,
        %get3A_504 = arith.index_cast %scan3A_169 : i32 to index
        %get3A_505 = arith.constant 448 : index
        %get3A_506 = tpu.vector_load %arg6[%get3A_504, %get3A_505] {strides = array<i32>} : memref<64x512xf32, #tpu.memory_space<vmem>>, vector<1x16xf32>,
        %get3A_507 = vector.shape_cast %get3A_506 : vector<1x16xf32> to vector<16xf32>
        %mul3A_508 = arith.constant 22.6274166 : f32
        %mul3A_509 = vector.broadcast %mul3A_508 : f32 to vector<16xf32>
        %mul3A_510 = arith.mulf %get3A_507, %mul3A_509 : vector<16xf32>
        %swap3A_511 = arith.index_cast %scan3A_169 : i32 to index
        %swap3A_512 = arith.constant 448 : index
        %swap3A_513 = tpu.vector_load %arg6[%swap3A_511, %swap3A_512] {strides = array<i32>} : memref<64x512xf32, #tpu.memory_space<vmem>>, vector<1x16xf32>,
        %swap3A_514 = vector.shape_cast %swap3A_513 : vector<1x16xf32> to vector<16xf32>
        %swap3A_515 = vector.shape_cast %mul3A_510 : vector<16xf32> to vector<1x16xf32>
        tpu.vector_store %arg6[%swap3A_511, %swap3A_512], %swap3A_515 {strides = array<i32>} : memref<64x512xf32, #tpu.memory_space<vmem>>, vector<1x16xf32>,
        %get3A_516 = arith.index_cast %scan3A_169 : i32 to index
        %get3A_517 = arith.constant 464 : index
        %get3A_518 = tpu.vector_load %arg6[%get3A_516, %get3A_517] {strides = array<i32>} : memref<64x512xf32, #tpu.memory_space<vmem>>, vector<1x16xf32>,
        %get3A_519 = vector.shape_cast %get3A_518 : vector<1x16xf32> to vector<16xf32>
        %mul3A_520 = arith.constant 22.6274166 : f32
        %mul3A_521 = vector.broadcast %mul3A_520 : f32 to vector<16xf32>
        %mul3A_522 = arith.mulf %get3A_519, %mul3A_521 : vector<16xf32>
        %swap3A_523 = arith.index_cast %scan3A_169 : i32 to index
        %swap3A_524 = arith.constant 464 : index
        %swap3A_525 = tpu.vector_load %arg6[%swap3A_523, %swap3A_524] {strides = array<i32>} : memref<64x512xf32, #tpu.memory_space<vmem>>, vector<1x16xf32>,
        %swap3A_526 = vector.shape_cast %swap3A_525 : vector<1x16xf32> to vector<16xf32>
        %swap3A_527 = vector.shape_cast %mul3A_522 : vector<16xf32> to vector<1x16xf32>
        tpu.vector_store %arg6[%swap3A_523, %swap3A_524], %swap3A_527 {strides = array<i32>} : memref<64x512xf32, #tpu.memory_space<vmem>>, vector<1x16xf32>,
        %get3A_528 = arith.index_cast %scan3A_169 : i32 to index
        %get3A_529 = arith.constant 480 : index
        %get3A_530 = tpu.vector_load %arg6[%get3A_528, %get3A_529] {strides = array<i32>} : memref<64x512xf32, #tpu.memory_space<vmem>>, vector<1x16xf32>,
        %get3A_531 = vector.shape_cast %get3A_530 : vector<1x16xf32> to vector<16xf32>
        %mul3A_532 = arith.constant 22.6274166 : f32
        %mul3A_533 = vector.broadcast %mul3A_532 : f32 to vector<16xf32>
        %mul3A_534 = arith.mulf %get3A_531, %mul3A_533 : vector<16xf32>
        %swap3A_535 = arith.index_cast %scan3A_169 : i32 to index
        %swap3A_536 = arith.constant 480 : index
        %swap3A_537 = tpu.vector_load %arg6[%swap3A_535, %swap3A_536] {strides = array<i32>} : memref<64x512xf32, #tpu.memory_space<vmem>>, vector<1x16xf32>,
        %swap3A_538 = vector.shape_cast %swap3A_537 : vector<1x16xf32> to vector<16xf32>
        %swap3A_539 = vector.shape_cast %mul3A_534 : vector<16xf32> to vector<1x16xf32>
        tpu.vector_store %arg6[%swap3A_535, %swap3A_536], %swap3A_539 {strides = array<i32>} : memref<64x512xf32, #tpu.memory_space<vmem>>, vector<1x16xf32>,
        %get3A_540 = arith.index_cast %scan3A_169 : i32 to index
        %get3A_541 = arith.constant 496 : index
        %get3A_542 = tpu.vector_load %arg6[%get3A_540, %get3A_541] {strides = array<i32>} : memref<64x512xf32, #tpu.memory_space<vmem>>, vector<1x16xf32>,
        %get3A_543 = vector.shape_cast %get3A_542 : vector<1x16xf32> to vector<16xf32>
        %mul3A_544 = arith.constant 22.6274166 : f32
        %mul3A_545 = vector.broadcast %mul3A_544 : f32 to vector<16xf32>
        %mul3A_546 = arith.mulf %get3A_543, %mul3A_545 : vector<16xf32>
        %swap3A_547 = arith.index_cast %scan3A_169 : i32 to index
        %swap3A_548 = arith.constant 496 : index
        %swap3A_549 = tpu.vector_load %arg6[%swap3A_547, %swap3A_548] {strides = array<i32>} : memref<64x512xf32, #tpu.memory_space<vmem>>, vector<1x16xf32>,
        %swap3A_550 = vector.shape_cast %swap3A_549 : vector<1x16xf32> to vector<16xf32>
        %swap3A_551 = vector.shape_cast %mul3A_546 : vector<16xf32> to vector<1x16xf32>
        tpu.vector_store %arg6[%swap3A_547, %swap3A_548], %swap3A_551 {strides = array<i32>} : memref<64x512xf32, #tpu.memory_space<vmem>>, vector<1x16xf32>,
      }
      %scan3A_53 = arith.constant 64 : i32
      %jit3A = arith.constant 2 : i32
      %div3A = arith.divsi %add3A_42, %jit3A : i32
      %sign3A = arith.constant 0 : i32
      %sign3A_54 = arith.cmpi sgt, %add3A_42, %sign3A : i32
      %sign3A_55 = arith.extui %sign3A_54 : i1 to i32
      %sign3A_56 = arith.constant 0 : i32
      %sign3A_57 = arith.cmpi slt, %add3A_42, %sign3A_56 : i32
      %sign3A_58 = arith.extui %sign3A_57 : i1 to i32
      %sign3A_59 = arith.subi %sign3A_55, %sign3A_58 : i32
      %sign3A_60 = arith.constant 0 : i32
      %sign3A_61 = arith.cmpi sgt, %jit3A, %sign3A_60 : i32
      %sign3A_62 = arith.extui %sign3A_61 : i1 to i32
      %sign3A_63 = arith.constant 0 : i32
      %sign3A_64 = arith.cmpi slt, %jit3A, %sign3A_63 : i32
      %sign3A_65 = arith.extui %sign3A_64 : i1 to i32
      %sign3A_66 = arith.subi %sign3A_62, %sign3A_65 : i32
      %ne3A = arith.cmpi ne, %sign3A_59, %sign3A_66 : i32
      %rem3A = arith.remsi %add3A_42, %jit3A : i32
      %ne3A_67 = arith.constant 0 : i32
      %ne3A_68 = arith.cmpi ne, %rem3A, %ne3A_67 : i32
      %and3A = arith.andi %ne3A, %ne3A_68 : i1
      %sub3A = arith.constant 1 : i32
      %sub3A_69 = arith.subi %div3A, %sub3A : i32
      %select_n3A = arith.select %and3A, %sub3A_69, %div3A : i32
      %jit3A_70 = arith.constant 2 : i32
      %eq3A = arith.constant 0 : i32
      %eq3A_71 = arith.cmpi eq, %jit3A_70, %eq3A : i32
      %jit3A_72 = arith.constant 1 : i32
      %select_n3A_73 = arith.select %eq3A_71, %jit3A_72, %jit3A_70 : i32
      %rem3A_74 = arith.remsi %add3A_42, %select_n3A_73 : i32
      %ne3A_75 = arith.constant 0 : i32
      %ne3A_76 = arith.cmpi ne, %rem3A_74, %ne3A_75 : i32
      %lt3A = arith.constant 0 : i32
      %lt3A_77 = arith.cmpi slt, %rem3A_74, %lt3A : i32
      %lt3A_78 = arith.constant 0 : i32
      %lt3A_79 = arith.cmpi slt, %select_n3A_73, %lt3A_78 : i32
      %ne3A_80 = arith.xori %lt3A_77, %lt3A_79 : i1
      %and3A_81 = arith.andi %ne3A_80, %ne3A_76 : i1
      %add3A_82 = arith.addi %rem3A_74, %select_n3A_73 : i32
      %select_n3A_83 = arith.select %and3A_81, %add3A_82, %rem3A_74 : i32
      %mul3A_84 = arith.constant 64 : i32
      %mul3A_85 = arith.muli %select_n3A_83, %mul3A_84 : i32
      %add3A_86 = arith.addi %mul3A_4, %mul3A_85 : i32
      %dma_start3A_87 = arith.constant 0 : i32
      %dma_start3A_88 = tpu.memref_slice %arg4[%add3A_86, %select_n3A, %dma_start3A_87] : memref<4096x20x512xf32, #tpu.memory_space<hbm>> -> memref<64x1x512xf32, #tpu.memory_space<hbm>>
      %dma_start3A_89 = tpu.memref_squeeze %dma_start3A_88 : memref<64x1x512xf32, #tpu.memory_space<hbm>> -> memref<64x512xf32, #tpu.memory_space<hbm>>
      %dma_start3A_90 = arith.constant 0 : i32
      %dma_start3A_91 = tpu.memref_slice %arg4[%add3A_86, %select_n3A, %dma_start3A_90] : memref<4096x20x512xf32, #tpu.memory_space<hbm>> -> memref<64x1x512xf32, #tpu.memory_space<hbm>>
      %dma_start3A_92 = tpu.memref_squeeze %dma_start3A_91 : memref<64x1x512xf32, #tpu.memory_space<hbm>> -> memref<64x512xf32, #tpu.memory_space<hbm>>
      tpu.enqueue_dma source(%arg6 : memref<64x512xf32, #tpu.memory_space<vmem>>) target(%dma_start3A_92 : memref<64x512xf32, #tpu.memory_space<hbm>>) target_semaphore(%arg10 : memref<!tpu.dma_semaphore, #tpu.memory_space<semaphore_mem>>)
      %add3A_93 = arith.constant 2 : i32
      %add3A_94 = arith.addi %add3A_42, %add3A_93 : i32
      %lt3A_95 = arith.constant 40 : i32
      %lt3A_96 = arith.cmpi slt, %add3A_94, %lt3A_95 : i32
      %convert_element_type3A = arith.extui %lt3A_96 : i1 to i32
      %cond3A = arith.constant 0 : i32
      %cond3A_97 = arith.cmpi ne, %convert_element_type3A, %cond3A : i32
      scf.if %cond3A_97 {
        %add3A_169 = arith.constant 0 : i32
        %add3A_170 = arith.addi %mul3A_4, %add3A_169 : i32
        %dma_wait3A_171 = arith.constant 0 : i32
        %dma_wait3A_172 = arith.constant 0 : i32
        %dma_wait3A_173 = tpu.memref_slice %arg4[%add3A_170, %dma_wait3A_171, %dma_wait3A_172] : memref<4096x20x512xf32, #tpu.memory_space<hbm>> -> memref<64x1x512xf32, #tpu.memory_space<hbm>>
        %dma_wait3A_174 = tpu.memref_squeeze %dma_wait3A_173 : memref<64x1x512xf32, #tpu.memory_space<hbm>> -> memref<64x512xf32, #tpu.memory_space<hbm>>
        %dma_wait3A_175 = arith.constant 0 : i32
        %dma_wait3A_176 = tpu.memref_slice %arg4[%add3A_170, %dma_wait3A_171, %dma_wait3A_175] : memref<4096x20x512xf32, #tpu.memory_space<hbm>> -> memref<64x1x512xf32, #tpu.memory_space<hbm>>
        %dma_wait3A_177 = tpu.memref_squeeze %dma_wait3A_176 : memref<64x1x512xf32, #tpu.memory_space<hbm>> -> memref<64x512xf32, #tpu.memory_space<hbm>>
        tpu.wait_dma2 semaphore(%arg10 : memref<!tpu.dma_semaphore, #tpu.memory_space<semaphore_mem>>) src(%arg6 : memref<64x512xf32, #tpu.memory_space<vmem>>) dst(%dma_wait3A_177 : memref<64x512xf32, #tpu.memory_space<hbm>>)
        %add3A_178 = arith.constant 2 : i32
        %add3A_179 = arith.addi %add3A_42, %add3A_178 : i32
        %mul3A_180 = arith.constant 64 : i32
        %mul3A_181 = arith.muli %add3A_179, %mul3A_180 : i32
        %multiple_of3A_182 = tpu.assume_multiple %mul3A_181, 8 : i32
        %dma_start3A_183 = tpu.memref_slice %arg5[%multiple_of3A_182] : memref<2560xi32, #tpu.memory_space<vmem>> -> memref<64xi32, #tpu.memory_space<vmem>>
        %dma_start3A_184 = arith.constant 0 : i32
        %dma_start3A_185 = arith.constant 0 : i32
        %dma_start3A_186 = tpu.memref_slice %arg3[%dma_start3A_184, %dma_start3A_185] : memref<100000x512xf32, #tpu.memory_space<hbm>> -> memref<100000x512xf32, #tpu.memory_space<hbm>>
        tpu.enqueue_indirect_dma source(%dma_start3A_186 : memref<100000x512xf32, #tpu.memory_space<hbm>>) target(%arg6 : memref<64x512xf32, #tpu.memory_space<vmem>>) offsets(%dma_start3A_183 : memref<64xi32, #tpu.memory_space<vmem>>) semaphore(%arg8 : memref<!tpu.dma_semaphore, #tpu.memory_space<semaphore_mem>>)
      } else {
      }
      %mul3A_98 = arith.constant 2 : i32
      %mul3A_99 = arith.muli %scan3A_38, %mul3A_98 : i32
      %add3A_100 = arith.constant 1 : i32
      %add3A_101 = arith.addi %mul3A_99, %add3A_100 : i32
      %dma_wait3A_102 = arith.constant 0 : i32
      %dma_wait3A_103 = tpu.memref_slice %arg5[%dma_wait3A_102] : memref<2560xi32, #tpu.memory_space<vmem>> -> memref<64xi32, #tpu.memory_space<vmem>>
      %dma_wait3A_104 = arith.constant 0 : i32
      %dma_wait3A_105 = arith.constant 0 : i32
      %dma_wait3A_106 = tpu.memref_slice %arg3[%dma_wait3A_104, %dma_wait3A_105] : memref<100000x512xf32, #tpu.memory_space<hbm>> -> memref<100000x512xf32, #tpu.memory_space<hbm>>
      tpu.wait_indirect_dma semaphore(%arg9 : memref<!tpu.dma_semaphore, #tpu.memory_space<semaphore_mem>>) src(%dma_wait3A_106 : memref<100000x512xf32, #tpu.memory_space<hbm>>) dst(%arg7 : memref<64x512xf32, #tpu.memory_space<vmem>>)
      %scan3A_107 = arith.constant 0 : i32
      %scan3A_108 = arith.constant 0 : i32
      %scan3A_109 = arith.constant 64 : i32
      %scan3A_110 = arith.addi %scan3A_108, %scan3A_109 : i32
      %scan3A_111 = arith.constant 1 : i32
      scf.for %scan3A_169 = %scan3A_108 to %scan3A_110 step %scan3A_111  : i32 {
        %get3A = arith.index_cast %scan3A_169 : i32 to index
        %get3A_170 = arith.constant 0 : index
        %get3A_171 = tpu.vector_load %arg7[%get3A, %get3A_170] {strides = array<i32>} : memref<64x512xf32, #tpu.memory_space<vmem>>, vector<1x16xf32>,
        %get3A_172 = vector.shape_cast %get3A_171 : vector<1x16xf32> to vector<16xf32>
        %mul3A_173 = arith.constant 22.6274166 : f32
        %mul3A_174 = vector.broadcast %mul3A_173 : f32 to vector<16xf32>
        %mul3A_175 = arith.mulf %get3A_172, %mul3A_174 : vector<16xf32>
        %swap3A = arith.index_cast %scan3A_169 : i32 to index
        %swap3A_176 = arith.constant 0 : index
        %swap3A_177 = tpu.vector_load %arg7[%swap3A, %swap3A_176] {strides = array<i32>} : memref<64x512xf32, #tpu.memory_space<vmem>>, vector<1x16xf32>,
        %swap3A_178 = vector.shape_cast %swap3A_177 : vector<1x16xf32> to vector<16xf32>
        %swap3A_179 = vector.shape_cast %mul3A_175 : vector<16xf32> to vector<1x16xf32>
        tpu.vector_store %arg7[%swap3A, %swap3A_176], %swap3A_179 {strides = array<i32>} : memref<64x512xf32, #tpu.memory_space<vmem>>, vector<1x16xf32>,
        %get3A_180 = arith.index_cast %scan3A_169 : i32 to index
        %get3A_181 = arith.constant 16 : index
        %get3A_182 = tpu.vector_load %arg7[%get3A_180, %get3A_181] {strides = array<i32>} : memref<64x512xf32, #tpu.memory_space<vmem>>, vector<1x16xf32>,
        %get3A_183 = vector.shape_cast %get3A_182 : vector<1x16xf32> to vector<16xf32>
        %mul3A_184 = arith.constant 22.6274166 : f32
        %mul3A_185 = vector.broadcast %mul3A_184 : f32 to vector<16xf32>
        %mul3A_186 = arith.mulf %get3A_183, %mul3A_185 : vector<16xf32>
        %swap3A_187 = arith.index_cast %scan3A_169 : i32 to index
        %swap3A_188 = arith.constant 16 : index
        %swap3A_189 = tpu.vector_load %arg7[%swap3A_187, %swap3A_188] {strides = array<i32>} : memref<64x512xf32, #tpu.memory_space<vmem>>, vector<1x16xf32>,
        %swap3A_190 = vector.shape_cast %swap3A_189 : vector<1x16xf32> to vector<16xf32>
        %swap3A_191 = vector.shape_cast %mul3A_186 : vector<16xf32> to vector<1x16xf32>
        tpu.vector_store %arg7[%swap3A_187, %swap3A_188], %swap3A_191 {strides = array<i32>} : memref<64x512xf32, #tpu.memory_space<vmem>>, vector<1x16xf32>,
        %get3A_192 = arith.index_cast %scan3A_169 : i32 to index
        %get3A_193 = arith.constant 32 : index
        %get3A_194 = tpu.vector_load %arg7[%get3A_192, %get3A_193] {strides = array<i32>} : memref<64x512xf32, #tpu.memory_space<vmem>>, vector<1x16xf32>,
        %get3A_195 = vector.shape_cast %get3A_194 : vector<1x16xf32> to vector<16xf32>
        %mul3A_196 = arith.constant 22.6274166 : f32
        %mul3A_197 = vector.broadcast %mul3A_196 : f32 to vector<16xf32>
        %mul3A_198 = arith.mulf %get3A_195, %mul3A_197 : vector<16xf32>
        %swap3A_199 = arith.index_cast %scan3A_169 : i32 to index
        %swap3A_200 = arith.constant 32 : index
        %swap3A_201 = tpu.vector_load %arg7[%swap3A_199, %swap3A_200] {strides = array<i32>} : memref<64x512xf32, #tpu.memory_space<vmem>>, vector<1x16xf32>,
        %swap3A_202 = vector.shape_cast %swap3A_201 : vector<1x16xf32> to vector<16xf32>
        %swap3A_203 = vector.shape_cast %mul3A_198 : vector<16xf32> to vector<1x16xf32>
        tpu.vector_store %arg7[%swap3A_199, %swap3A_200], %swap3A_203 {strides = array<i32>} : memref<64x512xf32, #tpu.memory_space<vmem>>, vector<1x16xf32>,
        %get3A_204 = arith.index_cast %scan3A_169 : i32 to index
        %get3A_205 = arith.constant 48 : index
        %get3A_206 = tpu.vector_load %arg7[%get3A_204, %get3A_205] {strides = array<i32>} : memref<64x512xf32, #tpu.memory_space<vmem>>, vector<1x16xf32>,
        %get3A_207 = vector.shape_cast %get3A_206 : vector<1x16xf32> to vector<16xf32>
        %mul3A_208 = arith.constant 22.6274166 : f32
        %mul3A_209 = vector.broadcast %mul3A_208 : f32 to vector<16xf32>
        %mul3A_210 = arith.mulf %get3A_207, %mul3A_209 : vector<16xf32>
        %swap3A_211 = arith.index_cast %scan3A_169 : i32 to index
        %swap3A_212 = arith.constant 48 : index
        %swap3A_213 = tpu.vector_load %arg7[%swap3A_211, %swap3A_212] {strides = array<i32>} : memref<64x512xf32, #tpu.memory_space<vmem>>, vector<1x16xf32>,
        %swap3A_214 = vector.shape_cast %swap3A_213 : vector<1x16xf32> to vector<16xf32>
        %swap3A_215 = vector.shape_cast %mul3A_210 : vector<16xf32> to vector<1x16xf32>
        tpu.vector_store %arg7[%swap3A_211, %swap3A_212], %swap3A_215 {strides = array<i32>} : memref<64x512xf32, #tpu.memory_space<vmem>>, vector<1x16xf32>,
        %get3A_216 = arith.index_cast %scan3A_169 : i32 to index
        %get3A_217 = arith.constant 64 : index
        %get3A_218 = tpu.vector_load %arg7[%get3A_216, %get3A_217] {strides = array<i32>} : memref<64x512xf32, #tpu.memory_space<vmem>>, vector<1x16xf32>,
        %get3A_219 = vector.shape_cast %get3A_218 : vector<1x16xf32> to vector<16xf32>
        %mul3A_220 = arith.constant 22.6274166 : f32
        %mul3A_221 = vector.broadcast %mul3A_220 : f32 to vector<16xf32>
        %mul3A_222 = arith.mulf %get3A_219, %mul3A_221 : vector<16xf32>
        %swap3A_223 = arith.index_cast %scan3A_169 : i32 to index
        %swap3A_224 = arith.constant 64 : index
        %swap3A_225 = tpu.vector_load %arg7[%swap3A_223, %swap3A_224] {strides = array<i32>} : memref<64x512xf32, #tpu.memory_space<vmem>>, vector<1x16xf32>,
        %swap3A_226 = vector.shape_cast %swap3A_225 : vector<1x16xf32> to vector<16xf32>
        %swap3A_227 = vector.shape_cast %mul3A_222 : vector<16xf32> to vector<1x16xf32>
        tpu.vector_store %arg7[%swap3A_223, %swap3A_224], %swap3A_227 {strides = array<i32>} : memref<64x512xf32, #tpu.memory_space<vmem>>, vector<1x16xf32>,
        %get3A_228 = arith.index_cast %scan3A_169 : i32 to index
        %get3A_229 = arith.constant 80 : index
        %get3A_230 = tpu.vector_load %arg7[%get3A_228, %get3A_229] {strides = array<i32>} : memref<64x512xf32, #tpu.memory_space<vmem>>, vector<1x16xf32>,
        %get3A_231 = vector.shape_cast %get3A_230 : vector<1x16xf32> to vector<16xf32>
        %mul3A_232 = arith.constant 22.6274166 : f32
        %mul3A_233 = vector.broadcast %mul3A_232 : f32 to vector<16xf32>
        %mul3A_234 = arith.mulf %get3A_231, %mul3A_233 : vector<16xf32>
        %swap3A_235 = arith.index_cast %scan3A_169 : i32 to index
        %swap3A_236 = arith.constant 80 : index
        %swap3A_237 = tpu.vector_load %arg7[%swap3A_235, %swap3A_236] {strides = array<i32>} : memref<64x512xf32, #tpu.memory_space<vmem>>, vector<1x16xf32>,
        %swap3A_238 = vector.shape_cast %swap3A_237 : vector<1x16xf32> to vector<16xf32>
        %swap3A_239 = vector.shape_cast %mul3A_234 : vector<16xf32> to vector<1x16xf32>
        tpu.vector_store %arg7[%swap3A_235, %swap3A_236], %swap3A_239 {strides = array<i32>} : memref<64x512xf32, #tpu.memory_space<vmem>>, vector<1x16xf32>,
        %get3A_240 = arith.index_cast %scan3A_169 : i32 to index
        %get3A_241 = arith.constant 96 : index
        %get3A_242 = tpu.vector_load %arg7[%get3A_240, %get3A_241] {strides = array<i32>} : memref<64x512xf32, #tpu.memory_space<vmem>>, vector<1x16xf32>,
        %get3A_243 = vector.shape_cast %get3A_242 : vector<1x16xf32> to vector<16xf32>
        %mul3A_244 = arith.constant 22.6274166 : f32
        %mul3A_245 = vector.broadcast %mul3A_244 : f32 to vector<16xf32>
        %mul3A_246 = arith.mulf %get3A_243, %mul3A_245 : vector<16xf32>
        %swap3A_247 = arith.index_cast %scan3A_169 : i32 to index
        %swap3A_248 = arith.constant 96 : index
        %swap3A_249 = tpu.vector_load %arg7[%swap3A_247, %swap3A_248] {strides = array<i32>} : memref<64x512xf32, #tpu.memory_space<vmem>>, vector<1x16xf32>,
        %swap3A_250 = vector.shape_cast %swap3A_249 : vector<1x16xf32> to vector<16xf32>
        %swap3A_251 = vector.shape_cast %mul3A_246 : vector<16xf32> to vector<1x16xf32>
        tpu.vector_store %arg7[%swap3A_247, %swap3A_248], %swap3A_251 {strides = array<i32>} : memref<64x512xf32, #tpu.memory_space<vmem>>, vector<1x16xf32>,
        %get3A_252 = arith.index_cast %scan3A_169 : i32 to index
        %get3A_253 = arith.constant 112 : index
        %get3A_254 = tpu.vector_load %arg7[%get3A_252, %get3A_253] {strides = array<i32>} : memref<64x512xf32, #tpu.memory_space<vmem>>, vector<1x16xf32>,
        %get3A_255 = vector.shape_cast %get3A_254 : vector<1x16xf32> to vector<16xf32>
        %mul3A_256 = arith.constant 22.6274166 : f32
        %mul3A_257 = vector.broadcast %mul3A_256 : f32 to vector<16xf32>
        %mul3A_258 = arith.mulf %get3A_255, %mul3A_257 : vector<16xf32>
        %swap3A_259 = arith.index_cast %scan3A_169 : i32 to index
        %swap3A_260 = arith.constant 112 : index
        %swap3A_261 = tpu.vector_load %arg7[%swap3A_259, %swap3A_260] {strides = array<i32>} : memref<64x512xf32, #tpu.memory_space<vmem>>, vector<1x16xf32>,
        %swap3A_262 = vector.shape_cast %swap3A_261 : vector<1x16xf32> to vector<16xf32>
        %swap3A_263 = vector.shape_cast %mul3A_258 : vector<16xf32> to vector<1x16xf32>
        tpu.vector_store %arg7[%swap3A_259, %swap3A_260], %swap3A_263 {strides = array<i32>} : memref<64x512xf32, #tpu.memory_space<vmem>>, vector<1x16xf32>,
        %get3A_264 = arith.index_cast %scan3A_169 : i32 to index
        %get3A_265 = arith.constant 128 : index
        %get3A_266 = tpu.vector_load %arg7[%get3A_264, %get3A_265] {strides = array<i32>} : memref<64x512xf32, #tpu.memory_space<vmem>>, vector<1x16xf32>,
        %get3A_267 = vector.shape_cast %get3A_266 : vector<1x16xf32> to vector<16xf32>
        %mul3A_268 = arith.constant 22.6274166 : f32
        %mul3A_269 = vector.broadcast %mul3A_268 : f32 to vector<16xf32>
        %mul3A_270 = arith.mulf %get3A_267, %mul3A_269 : vector<16xf32>
        %swap3A_271 = arith.index_cast %scan3A_169 : i32 to index
        %swap3A_272 = arith.constant 128 : index
        %swap3A_273 = tpu.vector_load %arg7[%swap3A_271, %swap3A_272] {strides = array<i32>} : memref<64x512xf32, #tpu.memory_space<vmem>>, vector<1x16xf32>,
        %swap3A_274 = vector.shape_cast %swap3A_273 : vector<1x16xf32> to vector<16xf32>
        %swap3A_275 = vector.shape_cast %mul3A_270 : vector<16xf32> to vector<1x16xf32>
        tpu.vector_store %arg7[%swap3A_271, %swap3A_272], %swap3A_275 {strides = array<i32>} : memref<64x512xf32, #tpu.memory_space<vmem>>, vector<1x16xf32>,
        %get3A_276 = arith.index_cast %scan3A_169 : i32 to index
        %get3A_277 = arith.constant 144 : index
        %get3A_278 = tpu.vector_load %arg7[%get3A_276, %get3A_277] {strides = array<i32>} : memref<64x512xf32, #tpu.memory_space<vmem>>, vector<1x16xf32>,
        %get3A_279 = vector.shape_cast %get3A_278 : vector<1x16xf32> to vector<16xf32>
        %mul3A_280 = arith.constant 22.6274166 : f32
        %mul3A_281 = vector.broadcast %mul3A_280 : f32 to vector<16xf32>
        %mul3A_282 = arith.mulf %get3A_279, %mul3A_281 : vector<16xf32>
        %swap3A_283 = arith.index_cast %scan3A_169 : i32 to index
        %swap3A_284 = arith.constant 144 : index
        %swap3A_285 = tpu.vector_load %arg7[%swap3A_283, %swap3A_284] {strides = array<i32>} : memref<64x512xf32, #tpu.memory_space<vmem>>, vector<1x16xf32>,
        %swap3A_286 = vector.shape_cast %swap3A_285 : vector<1x16xf32> to vector<16xf32>
        %swap3A_287 = vector.shape_cast %mul3A_282 : vector<16xf32> to vector<1x16xf32>
        tpu.vector_store %arg7[%swap3A_283, %swap3A_284], %swap3A_287 {strides = array<i32>} : memref<64x512xf32, #tpu.memory_space<vmem>>, vector<1x16xf32>,
        %get3A_288 = arith.index_cast %scan3A_169 : i32 to index
        %get3A_289 = arith.constant 160 : index
        %get3A_290 = tpu.vector_load %arg7[%get3A_288, %get3A_289] {strides = array<i32>} : memref<64x512xf32, #tpu.memory_space<vmem>>, vector<1x16xf32>,
        %get3A_291 = vector.shape_cast %get3A_290 : vector<1x16xf32> to vector<16xf32>
        %mul3A_292 = arith.constant 22.6274166 : f32
        %mul3A_293 = vector.broadcast %mul3A_292 : f32 to vector<16xf32>
        %mul3A_294 = arith.mulf %get3A_291, %mul3A_293 : vector<16xf32>
        %swap3A_295 = arith.index_cast %scan3A_169 : i32 to index
        %swap3A_296 = arith.constant 160 : index
        %swap3A_297 = tpu.vector_load %arg7[%swap3A_295, %swap3A_296] {strides = array<i32>} : memref<64x512xf32, #tpu.memory_space<vmem>>, vector<1x16xf32>,
        %swap3A_298 = vector.shape_cast %swap3A_297 : vector<1x16xf32> to vector<16xf32>
        %swap3A_299 = vector.shape_cast %mul3A_294 : vector<16xf32> to vector<1x16xf32>
        tpu.vector_store %arg7[%swap3A_295, %swap3A_296], %swap3A_299 {strides = array<i32>} : memref<64x512xf32, #tpu.memory_space<vmem>>, vector<1x16xf32>,
        %get3A_300 = arith.index_cast %scan3A_169 : i32 to index
        %get3A_301 = arith.constant 176 : index
        %get3A_302 = tpu.vector_load %arg7[%get3A_300, %get3A_301] {strides = array<i32>} : memref<64x512xf32, #tpu.memory_space<vmem>>, vector<1x16xf32>,
        %get3A_303 = vector.shape_cast %get3A_302 : vector<1x16xf32> to vector<16xf32>
        %mul3A_304 = arith.constant 22.6274166 : f32
        %mul3A_305 = vector.broadcast %mul3A_304 : f32 to vector<16xf32>
        %mul3A_306 = arith.mulf %get3A_303, %mul3A_305 : vector<16xf32>
        %swap3A_307 = arith.index_cast %scan3A_169 : i32 to index
        %swap3A_308 = arith.constant 176 : index
        %swap3A_309 = tpu.vector_load %arg7[%swap3A_307, %swap3A_308] {strides = array<i32>} : memref<64x512xf32, #tpu.memory_space<vmem>>, vector<1x16xf32>,
        %swap3A_310 = vector.shape_cast %swap3A_309 : vector<1x16xf32> to vector<16xf32>
        %swap3A_311 = vector.shape_cast %mul3A_306 : vector<16xf32> to vector<1x16xf32>
        tpu.vector_store %arg7[%swap3A_307, %swap3A_308], %swap3A_311 {strides = array<i32>} : memref<64x512xf32, #tpu.memory_space<vmem>>, vector<1x16xf32>,
        %get3A_312 = arith.index_cast %scan3A_169 : i32 to index
        %get3A_313 = arith.constant 192 : index
        %get3A_314 = tpu.vector_load %arg7[%get3A_312, %get3A_313] {strides = array<i32>} : memref<64x512xf32, #tpu.memory_space<vmem>>, vector<1x16xf32>,
        %get3A_315 = vector.shape_cast %get3A_314 : vector<1x16xf32> to vector<16xf32>
        %mul3A_316 = arith.constant 22.6274166 : f32
        %mul3A_317 = vector.broadcast %mul3A_316 : f32 to vector<16xf32>
        %mul3A_318 = arith.mulf %get3A_315, %mul3A_317 : vector<16xf32>
        %swap3A_319 = arith.index_cast %scan3A_169 : i32 to index
        %swap3A_320 = arith.constant 192 : index
        %swap3A_321 = tpu.vector_load %arg7[%swap3A_319, %swap3A_320] {strides = array<i32>} : memref<64x512xf32, #tpu.memory_space<vmem>>, vector<1x16xf32>,
        %swap3A_322 = vector.shape_cast %swap3A_321 : vector<1x16xf32> to vector<16xf32>
        %swap3A_323 = vector.shape_cast %mul3A_318 : vector<16xf32> to vector<1x16xf32>
        tpu.vector_store %arg7[%swap3A_319, %swap3A_320], %swap3A_323 {strides = array<i32>} : memref<64x512xf32, #tpu.memory_space<vmem>>, vector<1x16xf32>,
        %get3A_324 = arith.index_cast %scan3A_169 : i32 to index
        %get3A_325 = arith.constant 208 : index
        %get3A_326 = tpu.vector_load %arg7[%get3A_324, %get3A_325] {strides = array<i32>} : memref<64x512xf32, #tpu.memory_space<vmem>>, vector<1x16xf32>,
        %get3A_327 = vector.shape_cast %get3A_326 : vector<1x16xf32> to vector<16xf32>
        %mul3A_328 = arith.constant 22.6274166 : f32
        %mul3A_329 = vector.broadcast %mul3A_328 : f32 to vector<16xf32>
        %mul3A_330 = arith.mulf %get3A_327, %mul3A_329 : vector<16xf32>
        %swap3A_331 = arith.index_cast %scan3A_169 : i32 to index
        %swap3A_332 = arith.constant 208 : index
        %swap3A_333 = tpu.vector_load %arg7[%swap3A_331, %swap3A_332] {strides = array<i32>} : memref<64x512xf32, #tpu.memory_space<vmem>>, vector<1x16xf32>,
        %swap3A_334 = vector.shape_cast %swap3A_333 : vector<1x16xf32> to vector<16xf32>
        %swap3A_335 = vector.shape_cast %mul3A_330 : vector<16xf32> to vector<1x16xf32>
        tpu.vector_store %arg7[%swap3A_331, %swap3A_332], %swap3A_335 {strides = array<i32>} : memref<64x512xf32, #tpu.memory_space<vmem>>, vector<1x16xf32>,
        %get3A_336 = arith.index_cast %scan3A_169 : i32 to index
        %get3A_337 = arith.constant 224 : index
        %get3A_338 = tpu.vector_load %arg7[%get3A_336, %get3A_337] {strides = array<i32>} : memref<64x512xf32, #tpu.memory_space<vmem>>, vector<1x16xf32>,
        %get3A_339 = vector.shape_cast %get3A_338 : vector<1x16xf32> to vector<16xf32>
        %mul3A_340 = arith.constant 22.6274166 : f32
        %mul3A_341 = vector.broadcast %mul3A_340 : f32 to vector<16xf32>
        %mul3A_342 = arith.mulf %get3A_339, %mul3A_341 : vector<16xf32>
        %swap3A_343 = arith.index_cast %scan3A_169 : i32 to index
        %swap3A_344 = arith.constant 224 : index
        %swap3A_345 = tpu.vector_load %arg7[%swap3A_343, %swap3A_344] {strides = array<i32>} : memref<64x512xf32, #tpu.memory_space<vmem>>, vector<1x16xf32>,
        %swap3A_346 = vector.shape_cast %swap3A_345 : vector<1x16xf32> to vector<16xf32>
        %swap3A_347 = vector.shape_cast %mul3A_342 : vector<16xf32> to vector<1x16xf32>
        tpu.vector_store %arg7[%swap3A_343, %swap3A_344], %swap3A_347 {strides = array<i32>} : memref<64x512xf32, #tpu.memory_space<vmem>>, vector<1x16xf32>,
        %get3A_348 = arith.index_cast %scan3A_169 : i32 to index
        %get3A_349 = arith.constant 240 : index
        %get3A_350 = tpu.vector_load %arg7[%get3A_348, %get3A_349] {strides = array<i32>} : memref<64x512xf32, #tpu.memory_space<vmem>>, vector<1x16xf32>,
        %get3A_351 = vector.shape_cast %get3A_350 : vector<1x16xf32> to vector<16xf32>
        %mul3A_352 = arith.constant 22.6274166 : f32
        %mul3A_353 = vector.broadcast %mul3A_352 : f32 to vector<16xf32>
        %mul3A_354 = arith.mulf %get3A_351, %mul3A_353 : vector<16xf32>
        %swap3A_355 = arith.index_cast %scan3A_169 : i32 to index
        %swap3A_356 = arith.constant 240 : index
        %swap3A_357 = tpu.vector_load %arg7[%swap3A_355, %swap3A_356] {strides = array<i32>} : memref<64x512xf32, #tpu.memory_space<vmem>>, vector<1x16xf32>,
        %swap3A_358 = vector.shape_cast %swap3A_357 : vector<1x16xf32> to vector<16xf32>
        %swap3A_359 = vector.shape_cast %mul3A_354 : vector<16xf32> to vector<1x16xf32>
        tpu.vector_store %arg7[%swap3A_355, %swap3A_356], %swap3A_359 {strides = array<i32>} : memref<64x512xf32, #tpu.memory_space<vmem>>, vector<1x16xf32>,
        %get3A_360 = arith.index_cast %scan3A_169 : i32 to index
        %get3A_361 = arith.constant 256 : index
        %get3A_362 = tpu.vector_load %arg7[%get3A_360, %get3A_361] {strides = array<i32>} : memref<64x512xf32, #tpu.memory_space<vmem>>, vector<1x16xf32>,
        %get3A_363 = vector.shape_cast %get3A_362 : vector<1x16xf32> to vector<16xf32>
        %mul3A_364 = arith.constant 22.6274166 : f32
        %mul3A_365 = vector.broadcast %mul3A_364 : f32 to vector<16xf32>
        %mul3A_366 = arith.mulf %get3A_363, %mul3A_365 : vector<16xf32>
        %swap3A_367 = arith.index_cast %scan3A_169 : i32 to index
        %swap3A_368 = arith.constant 256 : index
        %swap3A_369 = tpu.vector_load %arg7[%swap3A_367, %swap3A_368] {strides = array<i32>} : memref<64x512xf32, #tpu.memory_space<vmem>>, vector<1x16xf32>,
        %swap3A_370 = vector.shape_cast %swap3A_369 : vector<1x16xf32> to vector<16xf32>
        %swap3A_371 = vector.shape_cast %mul3A_366 : vector<16xf32> to vector<1x16xf32>
        tpu.vector_store %arg7[%swap3A_367, %swap3A_368], %swap3A_371 {strides = array<i32>} : memref<64x512xf32, #tpu.memory_space<vmem>>, vector<1x16xf32>,
        %get3A_372 = arith.index_cast %scan3A_169 : i32 to index
        %get3A_373 = arith.constant 272 : index
        %get3A_374 = tpu.vector_load %arg7[%get3A_372, %get3A_373] {strides = array<i32>} : memref<64x512xf32, #tpu.memory_space<vmem>>, vector<1x16xf32>,
        %get3A_375 = vector.shape_cast %get3A_374 : vector<1x16xf32> to vector<16xf32>
        %mul3A_376 = arith.constant 22.6274166 : f32
        %mul3A_377 = vector.broadcast %mul3A_376 : f32 to vector<16xf32>
        %mul3A_378 = arith.mulf %get3A_375, %mul3A_377 : vector<16xf32>
        %swap3A_379 = arith.index_cast %scan3A_169 : i32 to index
        %swap3A_380 = arith.constant 272 : index
        %swap3A_381 = tpu.vector_load %arg7[%swap3A_379, %swap3A_380] {strides = array<i32>} : memref<64x512xf32, #tpu.memory_space<vmem>>, vector<1x16xf32>,
        %swap3A_382 = vector.shape_cast %swap3A_381 : vector<1x16xf32> to vector<16xf32>
        %swap3A_383 = vector.shape_cast %mul3A_378 : vector<16xf32> to vector<1x16xf32>
        tpu.vector_store %arg7[%swap3A_379, %swap3A_380], %swap3A_383 {strides = array<i32>} : memref<64x512xf32, #tpu.memory_space<vmem>>, vector<1x16xf32>,
        %get3A_384 = arith.index_cast %scan3A_169 : i32 to index
        %get3A_385 = arith.constant 288 : index
        %get3A_386 = tpu.vector_load %arg7[%get3A_384, %get3A_385] {strides = array<i32>} : memref<64x512xf32, #tpu.memory_space<vmem>>, vector<1x16xf32>,
        %get3A_387 = vector.shape_cast %get3A_386 : vector<1x16xf32> to vector<16xf32>
        %mul3A_388 = arith.constant 22.6274166 : f32
        %mul3A_389 = vector.broadcast %mul3A_388 : f32 to vector<16xf32>
        %mul3A_390 = arith.mulf %get3A_387, %mul3A_389 : vector<16xf32>
        %swap3A_391 = arith.index_cast %scan3A_169 : i32 to index
        %swap3A_392 = arith.constant 288 : index
        %swap3A_393 = tpu.vector_load %arg7[%swap3A_391, %swap3A_392] {strides = array<i32>} : memref<64x512xf32, #tpu.memory_space<vmem>>, vector<1x16xf32>,
        %swap3A_394 = vector.shape_cast %swap3A_393 : vector<1x16xf32> to vector<16xf32>
        %swap3A_395 = vector.shape_cast %mul3A_390 : vector<16xf32> to vector<1x16xf32>
        tpu.vector_store %arg7[%swap3A_391, %swap3A_392], %swap3A_395 {strides = array<i32>} : memref<64x512xf32, #tpu.memory_space<vmem>>, vector<1x16xf32>,
        %get3A_396 = arith.index_cast %scan3A_169 : i32 to index
        %get3A_397 = arith.constant 304 : index
        %get3A_398 = tpu.vector_load %arg7[%get3A_396, %get3A_397] {strides = array<i32>} : memref<64x512xf32, #tpu.memory_space<vmem>>, vector<1x16xf32>,
        %get3A_399 = vector.shape_cast %get3A_398 : vector<1x16xf32> to vector<16xf32>
        %mul3A_400 = arith.constant 22.6274166 : f32
        %mul3A_401 = vector.broadcast %mul3A_400 : f32 to vector<16xf32>
        %mul3A_402 = arith.mulf %get3A_399, %mul3A_401 : vector<16xf32>
        %swap3A_403 = arith.index_cast %scan3A_169 : i32 to index
        %swap3A_404 = arith.constant 304 : index
        %swap3A_405 = tpu.vector_load %arg7[%swap3A_403, %swap3A_404] {strides = array<i32>} : memref<64x512xf32, #tpu.memory_space<vmem>>, vector<1x16xf32>,
        %swap3A_406 = vector.shape_cast %swap3A_405 : vector<1x16xf32> to vector<16xf32>
        %swap3A_407 = vector.shape_cast %mul3A_402 : vector<16xf32> to vector<1x16xf32>
        tpu.vector_store %arg7[%swap3A_403, %swap3A_404], %swap3A_407 {strides = array<i32>} : memref<64x512xf32, #tpu.memory_space<vmem>>, vector<1x16xf32>,
        %get3A_408 = arith.index_cast %scan3A_169 : i32 to index
        %get3A_409 = arith.constant 320 : index
        %get3A_410 = tpu.vector_load %arg7[%get3A_408, %get3A_409] {strides = array<i32>} : memref<64x512xf32, #tpu.memory_space<vmem>>, vector<1x16xf32>,
        %get3A_411 = vector.shape_cast %get3A_410 : vector<1x16xf32> to vector<16xf32>
        %mul3A_412 = arith.constant 22.6274166 : f32
        %mul3A_413 = vector.broadcast %mul3A_412 : f32 to vector<16xf32>
        %mul3A_414 = arith.mulf %get3A_411, %mul3A_413 : vector<16xf32>
        %swap3A_415 = arith.index_cast %scan3A_169 : i32 to index
        %swap3A_416 = arith.constant 320 : index
        %swap3A_417 = tpu.vector_load %arg7[%swap3A_415, %swap3A_416] {strides = array<i32>} : memref<64x512xf32, #tpu.memory_space<vmem>>, vector<1x16xf32>,
        %swap3A_418 = vector.shape_cast %swap3A_417 : vector<1x16xf32> to vector<16xf32>
        %swap3A_419 = vector.shape_cast %mul3A_414 : vector<16xf32> to vector<1x16xf32>
        tpu.vector_store %arg7[%swap3A_415, %swap3A_416], %swap3A_419 {strides = array<i32>} : memref<64x512xf32, #tpu.memory_space<vmem>>, vector<1x16xf32>,
        %get3A_420 = arith.index_cast %scan3A_169 : i32 to index
        %get3A_421 = arith.constant 336 : index
        %get3A_422 = tpu.vector_load %arg7[%get3A_420, %get3A_421] {strides = array<i32>} : memref<64x512xf32, #tpu.memory_space<vmem>>, vector<1x16xf32>,
        %get3A_423 = vector.shape_cast %get3A_422 : vector<1x16xf32> to vector<16xf32>
        %mul3A_424 = arith.constant 22.6274166 : f32
        %mul3A_425 = vector.broadcast %mul3A_424 : f32 to vector<16xf32>
        %mul3A_426 = arith.mulf %get3A_423, %mul3A_425 : vector<16xf32>
        %swap3A_427 = arith.index_cast %scan3A_169 : i32 to index
        %swap3A_428 = arith.constant 336 : index
        %swap3A_429 = tpu.vector_load %arg7[%swap3A_427, %swap3A_428] {strides = array<i32>} : memref<64x512xf32, #tpu.memory_space<vmem>>, vector<1x16xf32>,
        %swap3A_430 = vector.shape_cast %swap3A_429 : vector<1x16xf32> to vector<16xf32>
        %swap3A_431 = vector.shape_cast %mul3A_426 : vector<16xf32> to vector<1x16xf32>
        tpu.vector_store %arg7[%swap3A_427, %swap3A_428], %swap3A_431 {strides = array<i32>} : memref<64x512xf32, #tpu.memory_space<vmem>>, vector<1x16xf32>,
        %get3A_432 = arith.index_cast %scan3A_169 : i32 to index
        %get3A_433 = arith.constant 352 : index
        %get3A_434 = tpu.vector_load %arg7[%get3A_432, %get3A_433] {strides = array<i32>} : memref<64x512xf32, #tpu.memory_space<vmem>>, vector<1x16xf32>,
        %get3A_435 = vector.shape_cast %get3A_434 : vector<1x16xf32> to vector<16xf32>
        %mul3A_436 = arith.constant 22.6274166 : f32
        %mul3A_437 = vector.broadcast %mul3A_436 : f32 to vector<16xf32>
        %mul3A_438 = arith.mulf %get3A_435, %mul3A_437 : vector<16xf32>
        %swap3A_439 = arith.index_cast %scan3A_169 : i32 to index
        %swap3A_440 = arith.constant 352 : index
        %swap3A_441 = tpu.vector_load %arg7[%swap3A_439, %swap3A_440] {strides = array<i32>} : memref<64x512xf32, #tpu.memory_space<vmem>>, vector<1x16xf32>,
        %swap3A_442 = vector.shape_cast %swap3A_441 : vector<1x16xf32> to vector<16xf32>
        %swap3A_443 = vector.shape_cast %mul3A_438 : vector<16xf32> to vector<1x16xf32>
        tpu.vector_store %arg7[%swap3A_439, %swap3A_440], %swap3A_443 {strides = array<i32>} : memref<64x512xf32, #tpu.memory_space<vmem>>, vector<1x16xf32>,
        %get3A_444 = arith.index_cast %scan3A_169 : i32 to index
        %get3A_445 = arith.constant 368 : index
        %get3A_446 = tpu.vector_load %arg7[%get3A_444, %get3A_445] {strides = array<i32>} : memref<64x512xf32, #tpu.memory_space<vmem>>, vector<1x16xf32>,
        %get3A_447 = vector.shape_cast %get3A_446 : vector<1x16xf32> to vector<16xf32>
        %mul3A_448 = arith.constant 22.6274166 : f32
        %mul3A_449 = vector.broadcast %mul3A_448 : f32 to vector<16xf32>
        %mul3A_450 = arith.mulf %get3A_447, %mul3A_449 : vector<16xf32>
        %swap3A_451 = arith.index_cast %scan3A_169 : i32 to index
        %swap3A_452 = arith.constant 368 : index
        %swap3A_453 = tpu.vector_load %arg7[%swap3A_451, %swap3A_452] {strides = array<i32>} : memref<64x512xf32, #tpu.memory_space<vmem>>, vector<1x16xf32>,
        %swap3A_454 = vector.shape_cast %swap3A_453 : vector<1x16xf32> to vector<16xf32>
        %swap3A_455 = vector.shape_cast %mul3A_450 : vector<16xf32> to vector<1x16xf32>
        tpu.vector_store %arg7[%swap3A_451, %swap3A_452], %swap3A_455 {strides = array<i32>} : memref<64x512xf32, #tpu.memory_space<vmem>>, vector<1x16xf32>,
        %get3A_456 = arith.index_cast %scan3A_169 : i32 to index
        %get3A_457 = arith.constant 384 : index
        %get3A_458 = tpu.vector_load %arg7[%get3A_456, %get3A_457] {strides = array<i32>} : memref<64x512xf32, #tpu.memory_space<vmem>>, vector<1x16xf32>,
        %get3A_459 = vector.shape_cast %get3A_458 : vector<1x16xf32> to vector<16xf32>
        %mul3A_460 = arith.constant 22.6274166 : f32
        %mul3A_461 = vector.broadcast %mul3A_460 : f32 to vector<16xf32>
        %mul3A_462 = arith.mulf %get3A_459, %mul3A_461 : vector<16xf32>
        %swap3A_463 = arith.index_cast %scan3A_169 : i32 to index
        %swap3A_464 = arith.constant 384 : index
        %swap3A_465 = tpu.vector_load %arg7[%swap3A_463, %swap3A_464] {strides = array<i32>} : memref<64x512xf32, #tpu.memory_space<vmem>>, vector<1x16xf32>,
        %swap3A_466 = vector.shape_cast %swap3A_465 : vector<1x16xf32> to vector<16xf32>
        %swap3A_467 = vector.shape_cast %mul3A_462 : vector<16xf32> to vector<1x16xf32>
        tpu.vector_store %arg7[%swap3A_463, %swap3A_464], %swap3A_467 {strides = array<i32>} : memref<64x512xf32, #tpu.memory_space<vmem>>, vector<1x16xf32>,
        %get3A_468 = arith.index_cast %scan3A_169 : i32 to index
        %get3A_469 = arith.constant 400 : index
        %get3A_470 = tpu.vector_load %arg7[%get3A_468, %get3A_469] {strides = array<i32>} : memref<64x512xf32, #tpu.memory_space<vmem>>, vector<1x16xf32>,
        %get3A_471 = vector.shape_cast %get3A_470 : vector<1x16xf32> to vector<16xf32>
        %mul3A_472 = arith.constant 22.6274166 : f32
        %mul3A_473 = vector.broadcast %mul3A_472 : f32 to vector<16xf32>
        %mul3A_474 = arith.mulf %get3A_471, %mul3A_473 : vector<16xf32>
        %swap3A_475 = arith.index_cast %scan3A_169 : i32 to index
        %swap3A_476 = arith.constant 400 : index
        %swap3A_477 = tpu.vector_load %arg7[%swap3A_475, %swap3A_476] {strides = array<i32>} : memref<64x512xf32, #tpu.memory_space<vmem>>, vector<1x16xf32>,
        %swap3A_478 = vector.shape_cast %swap3A_477 : vector<1x16xf32> to vector<16xf32>
        %swap3A_479 = vector.shape_cast %mul3A_474 : vector<16xf32> to vector<1x16xf32>
        tpu.vector_store %arg7[%swap3A_475, %swap3A_476], %swap3A_479 {strides = array<i32>} : memref<64x512xf32, #tpu.memory_space<vmem>>, vector<1x16xf32>,
        %get3A_480 = arith.index_cast %scan3A_169 : i32 to index
        %get3A_481 = arith.constant 416 : index
        %get3A_482 = tpu.vector_load %arg7[%get3A_480, %get3A_481] {strides = array<i32>} : memref<64x512xf32, #tpu.memory_space<vmem>>, vector<1x16xf32>,
        %get3A_483 = vector.shape_cast %get3A_482 : vector<1x16xf32> to vector<16xf32>
        %mul3A_484 = arith.constant 22.6274166 : f32
        %mul3A_485 = vector.broadcast %mul3A_484 : f32 to vector<16xf32>
        %mul3A_486 = arith.mulf %get3A_483, %mul3A_485 : vector<16xf32>
        %swap3A_487 = arith.index_cast %scan3A_169 : i32 to index
        %swap3A_488 = arith.constant 416 : index
        %swap3A_489 = tpu.vector_load %arg7[%swap3A_487, %swap3A_488] {strides = array<i32>} : memref<64x512xf32, #tpu.memory_space<vmem>>, vector<1x16xf32>,
        %swap3A_490 = vector.shape_cast %swap3A_489 : vector<1x16xf32> to vector<16xf32>
        %swap3A_491 = vector.shape_cast %mul3A_486 : vector<16xf32> to vector<1x16xf32>
        tpu.vector_store %arg7[%swap3A_487, %swap3A_488], %swap3A_491 {strides = array<i32>} : memref<64x512xf32, #tpu.memory_space<vmem>>, vector<1x16xf32>,
        %get3A_492 = arith.index_cast %scan3A_169 : i32 to index
        %get3A_493 = arith.constant 432 : index
        %get3A_494 = tpu.vector_load %arg7[%get3A_492, %get3A_493] {strides = array<i32>} : memref<64x512xf32, #tpu.memory_space<vmem>>, vector<1x16xf32>,
        %get3A_495 = vector.shape_cast %get3A_494 : vector<1x16xf32> to vector<16xf32>
        %mul3A_496 = arith.constant 22.6274166 : f32
        %mul3A_497 = vector.broadcast %mul3A_496 : f32 to vector<16xf32>
        %mul3A_498 = arith.mulf %get3A_495, %mul3A_497 : vector<16xf32>
        %swap3A_499 = arith.index_cast %scan3A_169 : i32 to index
        %swap3A_500 = arith.constant 432 : index
        %swap3A_501 = tpu.vector_load %arg7[%swap3A_499, %swap3A_500] {strides = array<i32>} : memref<64x512xf32, #tpu.memory_space<vmem>>, vector<1x16xf32>,
        %swap3A_502 = vector.shape_cast %swap3A_501 : vector<1x16xf32> to vector<16xf32>
        %swap3A_503 = vector.shape_cast %mul3A_498 : vector<16xf32> to vector<1x16xf32>
        tpu.vector_store %arg7[%swap3A_499, %swap3A_500], %swap3A_503 {strides = array<i32>} : memref<64x512xf32, #tpu.memory_space<vmem>>, vector<1x16xf32>,
        %get3A_504 = arith.index_cast %scan3A_169 : i32 to index
        %get3A_505 = arith.constant 448 : index
        %get3A_506 = tpu.vector_load %arg7[%get3A_504, %get3A_505] {strides = array<i32>} : memref<64x512xf32, #tpu.memory_space<vmem>>, vector<1x16xf32>,
        %get3A_507 = vector.shape_cast %get3A_506 : vector<1x16xf32> to vector<16xf32>
        %mul3A_508 = arith.constant 22.6274166 : f32
        %mul3A_509 = vector.broadcast %mul3A_508 : f32 to vector<16xf32>
        %mul3A_510 = arith.mulf %get3A_507, %mul3A_509 : vector<16xf32>
        %swap3A_511 = arith.index_cast %scan3A_169 : i32 to index
        %swap3A_512 = arith.constant 448 : index
        %swap3A_513 = tpu.vector_load %arg7[%swap3A_511, %swap3A_512] {strides = array<i32>} : memref<64x512xf32, #tpu.memory_space<vmem>>, vector<1x16xf32>,
        %swap3A_514 = vector.shape_cast %swap3A_513 : vector<1x16xf32> to vector<16xf32>
        %swap3A_515 = vector.shape_cast %mul3A_510 : vector<16xf32> to vector<1x16xf32>
        tpu.vector_store %arg7[%swap3A_511, %swap3A_512], %swap3A_515 {strides = array<i32>} : memref<64x512xf32, #tpu.memory_space<vmem>>, vector<1x16xf32>,
        %get3A_516 = arith.index_cast %scan3A_169 : i32 to index
        %get3A_517 = arith.constant 464 : index
        %get3A_518 = tpu.vector_load %arg7[%get3A_516, %get3A_517] {strides = array<i32>} : memref<64x512xf32, #tpu.memory_space<vmem>>, vector<1x16xf32>,
        %get3A_519 = vector.shape_cast %get3A_518 : vector<1x16xf32> to vector<16xf32>
        %mul3A_520 = arith.constant 22.6274166 : f32
        %mul3A_521 = vector.broadcast %mul3A_520 : f32 to vector<16xf32>
        %mul3A_522 = arith.mulf %get3A_519, %mul3A_521 : vector<16xf32>
        %swap3A_523 = arith.index_cast %scan3A_169 : i32 to index
        %swap3A_524 = arith.constant 464 : index
        %swap3A_525 = tpu.vector_load %arg7[%swap3A_523, %swap3A_524] {strides = array<i32>} : memref<64x512xf32, #tpu.memory_space<vmem>>, vector<1x16xf32>,
        %swap3A_526 = vector.shape_cast %swap3A_525 : vector<1x16xf32> to vector<16xf32>
        %swap3A_527 = vector.shape_cast %mul3A_522 : vector<16xf32> to vector<1x16xf32>
        tpu.vector_store %arg7[%swap3A_523, %swap3A_524], %swap3A_527 {strides = array<i32>} : memref<64x512xf32, #tpu.memory_space<vmem>>, vector<1x16xf32>,
        %get3A_528 = arith.index_cast %scan3A_169 : i32 to index
        %get3A_529 = arith.constant 480 : index
        %get3A_530 = tpu.vector_load %arg7[%get3A_528, %get3A_529] {strides = array<i32>} : memref<64x512xf32, #tpu.memory_space<vmem>>, vector<1x16xf32>,
        %get3A_531 = vector.shape_cast %get3A_530 : vector<1x16xf32> to vector<16xf32>
        %mul3A_532 = arith.constant 22.6274166 : f32
        %mul3A_533 = vector.broadcast %mul3A_532 : f32 to vector<16xf32>
        %mul3A_534 = arith.mulf %get3A_531, %mul3A_533 : vector<16xf32>
        %swap3A_535 = arith.index_cast %scan3A_169 : i32 to index
        %swap3A_536 = arith.constant 480 : index
        %swap3A_537 = tpu.vector_load %arg7[%swap3A_535, %swap3A_536] {strides = array<i32>} : memref<64x512xf32, #tpu.memory_space<vmem>>, vector<1x16xf32>,
        %swap3A_538 = vector.shape_cast %swap3A_537 : vector<1x16xf32> to vector<16xf32>
        %swap3A_539 = vector.shape_cast %mul3A_534 : vector<16xf32> to vector<1x16xf32>
        tpu.vector_store %arg7[%swap3A_535, %swap3A_536], %swap3A_539 {strides = array<i32>} : memref<64x512xf32, #tpu.memory_space<vmem>>, vector<1x16xf32>,
        %get3A_540 = arith.index_cast %scan3A_169 : i32 to index
        %get3A_541 = arith.constant 496 : index
        %get3A_542 = tpu.vector_load %arg7[%get3A_540, %get3A_541] {strides = array<i32>} : memref<64x512xf32, #tpu.memory_space<vmem>>, vector<1x16xf32>,
        %get3A_543 = vector.shape_cast %get3A_542 : vector<1x16xf32> to vector<16xf32>
        %mul3A_544 = arith.constant 22.6274166 : f32
        %mul3A_545 = vector.broadcast %mul3A_544 : f32 to vector<16xf32>
        %mul3A_546 = arith.mulf %get3A_543, %mul3A_545 : vector<16xf32>
        %swap3A_547 = arith.index_cast %scan3A_169 : i32 to index
        %swap3A_548 = arith.constant 496 : index
        %swap3A_549 = tpu.vector_load %arg7[%swap3A_547, %swap3A_548] {strides = array<i32>} : memref<64x512xf32, #tpu.memory_space<vmem>>, vector<1x16xf32>,
        %swap3A_550 = vector.shape_cast %swap3A_549 : vector<1x16xf32> to vector<16xf32>
        %swap3A_551 = vector.shape_cast %mul3A_546 : vector<16xf32> to vector<1x16xf32>
        tpu.vector_store %arg7[%swap3A_547, %swap3A_548], %swap3A_551 {strides = array<i32>} : memref<64x512xf32, #tpu.memory_space<vmem>>, vector<1x16xf32>,
      }
      %scan3A_112 = arith.constant 64 : i32
      %jit3A_113 = arith.constant 2 : i32
      %div3A_114 = arith.divsi %add3A_101, %jit3A_113 : i32
      %sign3A_115 = arith.constant 0 : i32
      %sign3A_116 = arith.cmpi sgt, %add3A_101, %sign3A_115 : i32
      %sign3A_117 = arith.extui %sign3A_116 : i1 to i32
      %sign3A_118 = arith.constant 0 : i32
      %sign3A_119 = arith.cmpi slt, %add3A_101, %sign3A_118 : i32
      %sign3A_120 = arith.extui %sign3A_119 : i1 to i32
      %sign3A_121 = arith.subi %sign3A_117, %sign3A_120 : i32
      %sign3A_122 = arith.constant 0 : i32
      %sign3A_123 = arith.cmpi sgt, %jit3A_113, %sign3A_122 : i32
      %sign3A_124 = arith.extui %sign3A_123 : i1 to i32
      %sign3A_125 = arith.constant 0 : i32
      %sign3A_126 = arith.cmpi slt, %jit3A_113, %sign3A_125 : i32
      %sign3A_127 = arith.extui %sign3A_126 : i1 to i32
      %sign3A_128 = arith.subi %sign3A_124, %sign3A_127 : i32
      %ne3A_129 = arith.cmpi ne, %sign3A_121, %sign3A_128 : i32
      %rem3A_130 = arith.remsi %add3A_101, %jit3A_113 : i32
      %ne3A_131 = arith.constant 0 : i32
      %ne3A_132 = arith.cmpi ne, %rem3A_130, %ne3A_131 : i32
      %and3A_133 = arith.andi %ne3A_129, %ne3A_132 : i1
      %sub3A_134 = arith.constant 1 : i32
      %sub3A_135 = arith.subi %div3A_114, %sub3A_134 : i32
      %select_n3A_136 = arith.select %and3A_133, %sub3A_135, %div3A_114 : i32
      %jit3A_137 = arith.constant 2 : i32
      %eq3A_138 = arith.constant 0 : i32
      %eq3A_139 = arith.cmpi eq, %jit3A_137, %eq3A_138 : i32
      %jit3A_140 = arith.constant 1 : i32
      %select_n3A_141 = arith.select %eq3A_139, %jit3A_140, %jit3A_137 : i32
      %rem3A_142 = arith.remsi %add3A_101, %select_n3A_141 : i32
      %ne3A_143 = arith.constant 0 : i32
      %ne3A_144 = arith.cmpi ne, %rem3A_142, %ne3A_143 : i32
      %lt3A_145 = arith.constant 0 : i32
      %lt3A_146 = arith.cmpi slt, %rem3A_142, %lt3A_145 : i32
      %lt3A_147 = arith.constant 0 : i32
      %lt3A_148 = arith.cmpi slt, %select_n3A_141, %lt3A_147 : i32
      %ne3A_149 = arith.xori %lt3A_146, %lt3A_148 : i1
      %and3A_150 = arith.andi %ne3A_149, %ne3A_144 : i1
      %add3A_151 = arith.addi %rem3A_142, %select_n3A_141 : i32
      %select_n3A_152 = arith.select %and3A_150, %add3A_151, %rem3A_142 : i32
      %mul3A_153 = arith.constant 64 : i32
      %mul3A_154 = arith.muli %select_n3A_152, %mul3A_153 : i32
      %add3A_155 = arith.addi %mul3A_4, %mul3A_154 : i32
      %dma_start3A_156 = arith.constant 0 : i32
      %dma_start3A_157 = tpu.memref_slice %arg4[%add3A_155, %select_n3A_136, %dma_start3A_156] : memref<4096x20x512xf32, #tpu.memory_space<hbm>> -> memref<64x1x512xf32, #tpu.memory_space<hbm>>
      %dma_start3A_158 = tpu.memref_squeeze %dma_start3A_157 : memref<64x1x512xf32, #tpu.memory_space<hbm>> -> memref<64x512xf32, #tpu.memory_space<hbm>>
      %dma_start3A_159 = arith.constant 0 : i32
      %dma_start3A_160 = tpu.memref_slice %arg4[%add3A_155, %select_n3A_136, %dma_start3A_159] : memref<4096x20x512xf32, #tpu.memory_space<hbm>> -> memref<64x1x512xf32, #tpu.memory_space<hbm>>
      %dma_start3A_161 = tpu.memref_squeeze %dma_start3A_160 : memref<64x1x512xf32, #tpu.memory_space<hbm>> -> memref<64x512xf32, #tpu.memory_space<hbm>>
      tpu.enqueue_dma source(%arg7 : memref<64x512xf32, #tpu.memory_space<vmem>>) target(%dma_start3A_161 : memref<64x512xf32, #tpu.memory_space<hbm>>) target_semaphore(%arg11 : memref<!tpu.dma_semaphore, #tpu.memory_space<semaphore_mem>>)
      %add3A_162 = arith.constant 2 : i32
      %add3A_163 = arith.addi %add3A_101, %add3A_162 : i32
      %lt3A_164 = arith.constant 40 : i32
      %lt3A_165 = arith.cmpi slt, %add3A_163, %lt3A_164 : i32
      %convert_element_type3A_166 = arith.extui %lt3A_165 : i1 to i32
      %cond3A_167 = arith.constant 0 : i32
      %cond3A_168 = arith.cmpi ne, %convert_element_type3A_166, %cond3A_167 : i32
      scf.if %cond3A_168 {
        %add3A_169 = arith.constant 0 : i32
        %add3A_170 = arith.addi %mul3A_4, %add3A_169 : i32
        %dma_wait3A_171 = arith.constant 0 : i32
        %dma_wait3A_172 = arith.constant 0 : i32
        %dma_wait3A_173 = tpu.memref_slice %arg4[%add3A_170, %dma_wait3A_171, %dma_wait3A_172] : memref<4096x20x512xf32, #tpu.memory_space<hbm>> -> memref<64x1x512xf32, #tpu.memory_space<hbm>>
        %dma_wait3A_174 = tpu.memref_squeeze %dma_wait3A_173 : memref<64x1x512xf32, #tpu.memory_space<hbm>> -> memref<64x512xf32, #tpu.memory_space<hbm>>
        %dma_wait3A_175 = arith.constant 0 : i32
        %dma_wait3A_176 = tpu.memref_slice %arg4[%add3A_170, %dma_wait3A_171, %dma_wait3A_175] : memref<4096x20x512xf32, #tpu.memory_space<hbm>> -> memref<64x1x512xf32, #tpu.memory_space<hbm>>
        %dma_wait3A_177 = tpu.memref_squeeze %dma_wait3A_176 : memref<64x1x512xf32, #tpu.memory_space<hbm>> -> memref<64x512xf32, #tpu.memory_space<hbm>>
        tpu.wait_dma2 semaphore(%arg11 : memref<!tpu.dma_semaphore, #tpu.memory_space<semaphore_mem>>) src(%arg7 : memref<64x512xf32, #tpu.memory_space<vmem>>) dst(%dma_wait3A_177 : memref<64x512xf32, #tpu.memory_space<hbm>>)
        %add3A_178 = arith.constant 2 : i32
        %add3A_179 = arith.addi %add3A_101, %add3A_178 : i32
        %mul3A_180 = arith.constant 64 : i32
        %mul3A_181 = arith.muli %add3A_179, %mul3A_180 : i32
        %multiple_of3A_182 = tpu.assume_multiple %mul3A_181, 8 : i32
        %dma_start3A_183 = tpu.memref_slice %arg5[%multiple_of3A_182] : memref<2560xi32, #tpu.memory_space<vmem>> -> memref<64xi32, #tpu.memory_space<vmem>>
        %dma_start3A_184 = arith.constant 0 : i32
        %dma_start3A_185 = arith.constant 0 : i32
        %dma_start3A_186 = tpu.memref_slice %arg3[%dma_start3A_184, %dma_start3A_185] : memref<100000x512xf32, #tpu.memory_space<hbm>> -> memref<100000x512xf32, #tpu.memory_space<hbm>>
        tpu.enqueue_indirect_dma source(%dma_start3A_186 : memref<100000x512xf32, #tpu.memory_space<hbm>>) target(%arg7 : memref<64x512xf32, #tpu.memory_space<vmem>>) offsets(%dma_start3A_183 : memref<64xi32, #tpu.memory_space<vmem>>) semaphore(%arg9 : memref<!tpu.dma_semaphore, #tpu.memory_space<semaphore_mem>>)
      } else {
      }
    }
    %scan3A_20 = arith.constant 20 : i32
    %add3A_21 = arith.constant 0 : i32
    %add3A_22 = arith.addi %mul3A_4, %add3A_21 : i32
    %dma_wait3A = arith.constant 0 : i32
    %dma_wait3A_23 = arith.constant 0 : i32
    %dma_wait3A_24 = tpu.memref_slice %arg4[%add3A_22, %dma_wait3A, %dma_wait3A_23] : memref<4096x20x512xf32, #tpu.memory_space<hbm>> -> memref<64x1x512xf32, #tpu.memory_space<hbm>>
    %dma_wait3A_25 = tpu.memref_squeeze %dma_wait3A_24 : memref<64x1x512xf32, #tpu.memory_space<hbm>> -> memref<64x512xf32, #tpu.memory_space<hbm>>
    %dma_wait3A_26 = arith.constant 0 : i32
    %dma_wait3A_27 = tpu.memref_slice %arg4[%add3A_22, %dma_wait3A, %dma_wait3A_26] : memref<4096x20x512xf32, #tpu.memory_space<hbm>> -> memref<64x1x512xf32, #tpu.memory_space<hbm>>
    %dma_wait3A_28 = tpu.memref_squeeze %dma_wait3A_27 : memref<64x1x512xf32, #tpu.memory_space<hbm>> -> memref<64x512xf32, #tpu.memory_space<hbm>>
    tpu.wait_dma2 semaphore(%arg10 : memref<!tpu.dma_semaphore, #tpu.memory_space<semaphore_mem>>) src(%arg6 : memref<64x512xf32, #tpu.memory_space<vmem>>) dst(%dma_wait3A_28 : memref<64x512xf32, #tpu.memory_space<hbm>>)
    %add3A_29 = arith.constant 0 : i32
    %add3A_30 = arith.addi %mul3A_4, %add3A_29 : i32
    %dma_wait3A_31 = arith.constant 0 : i32
    %dma_wait3A_32 = arith.constant 0 : i32
    %dma_wait3A_33 = tpu.memref_slice %arg4[%add3A_30, %dma_wait3A_31, %dma_wait3A_32] : memref<4096x20x512xf32, #tpu.memory_space<hbm>> -> memref<64x1x512xf32, #tpu.memory_space<hbm>>
    %dma_wait3A_34 = tpu.memref_squeeze %dma_wait3A_33 : memref<64x1x512xf32, #tpu.memory_space<hbm>> -> memref<64x512xf32, #tpu.memory_space<hbm>>
    %dma_wait3A_35 = arith.constant 0 : i32
    %dma_wait3A_36 = tpu.memref_slice %arg4[%add3A_30, %dma_wait3A_31, %dma_wait3A_35] : memref<4096x20x512xf32, #tpu.memory_space<hbm>> -> memref<64x1x512xf32, #tpu.memory_space<hbm>>
    %dma_wait3A_37 = tpu.memref_squeeze %dma_wait3A_36 : memref<64x1x512xf32, #tpu.memory_space<hbm>> -> memref<64x512xf32, #tpu.memory_space<hbm>>
    tpu.wait_dma2 semaphore(%arg11 : memref<!tpu.dma_semaphore, #tpu.memory_space<semaphore_mem>>) src(%arg7 : memref<64x512xf32, #tpu.memory_space<vmem>>) dst(%dma_wait3A_37 : memref<64x512xf32, #tpu.memory_space<hbm>>)
    return
  }
}

</mosaic_0001>

<sc_bundles>
// kernel: kernel.3.cloned.1.call-start
scs
__scs_entry_jumppad:
0x0: {  	(pc) =	sbr.rel $0x88, $3  }
0x1: {  	(tag) =	ssettag $0x0;
	lr =	simm.s32 $0x1  }
0x2: {  	[smem:$0x3F9F] =	sst lr;
	_ =	strace $0xD0000000  }
0x3: {  	_ = 	snop  }
0x4: {  	_ = 	snop  }
0x5: {  	_ = 	snop  }
0x6: {  	_ = 	snop  }
0x7: {  	_ = 	snop  }
__scs_overlays_trampoline_lowered:
0x8: {  	[smem:$0x3FAE] =	sst s0  }
0x9: {  	[smem:$0x3FAF] =	sst s1  }
0xa: {  	[smem:$0x3FB0] =	sst s2  }
0xb: {  	[smem:$0x3FB1] =	sst s3  }
0xc: {  	[smem:$0x3FB2] =	sst s4  }
0xd: {  	[smem:$0x3FB3] =	sst s5  }
0xe: {  	[smem:$0x3FB4] =	sst s6  }
0xf: {  	[smem:$0x3FB5] =	sst s7  }
0x10: {  	[smem:$0x3FB6] =	sst s8  }
0x11: {  	[smem:$0x3FB7] =	sst s9;
	s0 =	simm.s32 @!p0 $0x0  }
0x12: {  	s1 =	sld [smem:$0x3F9D];
	s0 =	simm.s32 @p0 $0x1  }
0x13: {  	[smem:$0x3FB8] =	sst s0;
	s0 =	simm.s32 @!p1 $0x0  }
0x14: {  	s2 =	sld [smem:$0x3F9C];
	s0 =	simm.s32 @p1 $0x1  }
0x15: {  	[smem:$0x3FB9] =	sst s0;
	s0 =	simm.s32 @!p2 $0x0  }
0x16: {  	s3 =	sld [smem:$0x3FDB];
	s0 =	simm.s32 @p2 $0x1  }
0x17: {  	s4 =	simm.s32 $0x1BF5;
	[smem:$0x3FBB] =	sst s0  }
0x18: {  	s0 =	sld [smem:$0x3F9E];
	_ =	swait.ge [sflag:s4], $0x0  }
0x19: {  	s7 =	sld [smem:$0x3F9F]  }
0x1a: {  	s8 =	sadd.s32 $0xFFFFE003, lr  }
0x1b: {  	s9 =	sadd.s32 $0xFFFFFEF7, lr;
	s5 =	simm.s32 $0xFFFFFFFF;
	p2 =	slt.u32 s8, $0xFFFFF086  }
0x1c: {  	p1 =	slt.u32 s9, $0xF7A;
	s5 =	simm.s32 @!p2 $0x0  }
0x1d: {  	s5 =	simm.s32 @p1 $0x1;
	p0 =	seq.s32 s7, s2  }
0x1e: {  	s7 =	smul.u32 @!p0 $0xF7A, s2;
	p2 =	seq.s32 @!p0 s5, $0x0  }
0x1f: {  	s9 =	smul.u32 $0xF7A, s1;
	s8 =	simm.s32 @!p0 $0x1BF5;
	p2 =	por !p2, p0  }
0x20: {  	[sflag:s8] =	ssyncset.s32 @!p0 $0xFFFFF086;
	s6 =	sadd.s32 @!p0 s3, s7;
	s7 =	simm.s32 @!p0 $0x108  }
0x21: {  	s3 =	sadd.s32 s3, s9;
	s6 =	sadd.s32 @!p0 $0x88, s6;
	s7 =	simm.s32 @p2 $0x1082  }
0x22: {  	[simem:s7], [sflag:s8] =	dma.local @!p0 [hbm:s6], $0xF7A  }
0x23: {  	s9 =	sor.u32 $0xD0000000, s2;
	s6 =	simm.s32 $0x108;
	_ =	swait.ge @!p0 [sflag:s8], $0x0  }
0x24: {  	s3 =	sadd.s32 $0x88, s3;
	s6 =	simm.s32 @!p1 $0x1082;
	[sflag:s4] =	ssyncset.s32 $0xFFFFF086  }
0x25: {  	[simem:s6], [sflag:s4] =	dma.local [hbm:s3], $0xF7A  }
0x26: {  	[smem:$0x3F9F] =	sst s1;
	(tag) =	ssettag s2;
	_ =	strace s9  }
0x27: {  	s1 =	sld [smem:$0x3FAF]  }
0x28: {  	s2 =	sld [smem:$0x3FB0]  }
0x29: {  	s4 =	sld [smem:$0x3FB2]  }
0x2a: {  	p0 =	seq.s32 s5, $0x0;
	s5 =	sld [smem:$0x3FB3]  }
0x2b: {  	s6 =	sld [smem:$0x3FB4]  }
0x2c: {  	s7 =	sld [smem:$0x3FB5]  }
0x2d: {  	s3 =	simm.s32 $0x108;
	s8 =	sld [smem:$0x3FB6]  }
0x2e: {  	s3 =	simm.s32 @!p0 $0x1082;
	s9 =	sld [smem:$0x3FB7]  }
0x2f: {  	lr =	sadd.s32 s0, s3;
	s0 =	sld [smem:$0x3FAE]  }
0x30: {  	s3 =	sld [smem:$0x3FB1]  }
0x31: {  	[smem:$0x3FBA] =	sst s10  }
0x32: {  	s10 =	sld [smem:$0x3FB8];
	_ =	sdelay $0x3  }
0x33: {  	p0 =	seq.s32 s10, $0x1;
	s10 =	sld [smem:$0x3FBA];
	_ =	sdelay $0x3  }
0x34: {  	[smem:$0x3FBA] =	sst s10  }
0x35: {  	s10 =	sld [smem:$0x3FB9];
	_ =	sdelay $0x3  }
0x36: {  	p1 =	seq.s32 s10, $0x1;
	s10 =	sld [smem:$0x3FBA];
	_ =	sdelay $0x3  }
0x37: {  	[smem:$0x3FBA] =	sst s10  }
0x38: {  	s10 =	sld [smem:$0x3FBB]  }
0x39: {  	_ = 	snop;
	(pc) =	sbr.ind lr, $3  }
0x3a: {  	_ = 	snop  }
0x3b: {  	_ = 	snop  }
0x3c: {  	p2 =	seq.s32 s10, $0x1;
	s10 =	sld [smem:$0x3FBA]  }
0x3d: {  	_ =	shalt  }
0x3e: {  	_ =	shalt  }
0x3f: {  	_ =	shalt  }
0x40: {  	_ =	shalt  }
0x41: {  	_ =	shalt  }
0x42: {  	_ =	shalt  }
0x43: {  	_ =	shalt  }
0x44: {  	_ =	shalt  }
0x45: {  	_ =	shalt  }
0x46: {  	_ =	shalt  }
0x47: {  	_ =	shalt  }
0x48: {  	_ =	shalt  }
0x49: {  	_ =	shalt  }
0x4a: {  	_ =	shalt  }
0x4b: {  	_ =	shalt  }
0x4c: {  	_ =	shalt  }
0x4d: {  	_ =	shalt  }
0x4e: {  	_ =	shalt  }
0x4f: {  	_ =	shalt  }
0x50: {  	_ =	shalt  }
0x51: {  	_ =	shalt  }
0x52: {  	_ =	shalt  }
0x53: {  	_ =	shalt  }
0x54: {  	_ =	shalt  }
0x55: {  	_ =	shalt  }
0x56: {  	_ =	shalt  }
0x57: {  	_ =	shalt  }
0x58: {  	_ =	shalt  }
0x59: {  	_ =	shalt  }
0x5a: {  	_ =	shalt  }
0x5b: {  	_ =	shalt  }
0x5c: {  	_ =	shalt  }
0x5d: {  	_ =	shalt  }
0x5e: {  	_ =	shalt  }
0x5f: {  	_ =	shalt  }
0x60: {  	_ =	shalt  }
0x61: {  	_ =	shalt  }
0x62: {  	_ =	shalt  }
0x63: {  	_ =	shalt  }
0x64: {  	_ =	shalt  }
0x65: {  	_ =	shalt  }
0x66: {  	_ =	shalt  }
0x67: {  	_ =	shalt  }
0x68: {  	_ =	shalt  }
0x69: {  	_ =	shalt  }
0x6a: {  	_ =	shalt  }
0x6b: {  	_ =	shalt  }
0x6c: {  	_ =	shalt  }
0x6d: {  	_ =	shalt  }
0x6e: {  	_ =	shalt  }
0x6f: {  	_ =	shalt  }
0x70: {  	_ =	shalt  }
0x71: {  	_ =	shalt  }
0x72: {  	_ =	shalt  }
0x73: {  	_ =	shalt  }
0x74: {  	_ =	shalt  }
0x75: {  	_ =	shalt  }
0x76: {  	_ =	shalt  }
0x77: {  	_ =	shalt  }
0x78: {  	_ =	shalt  }
0x79: {  	_ =	shalt  }
0x7a: {  	_ =	shalt  }
0x7b: {  	_ =	shalt  }
0x7c: {  	_ =	shalt  }
0x7d: {  	_ =	shalt  }
0x7e: {  	_ =	shalt  }
0x7f: {  	_ =	shalt  }
0x80: {  	_ =	shalt  }
0x81: {  	_ =	shalt  }
0x82: {  	_ =	shalt  }
0x83: {  	_ =	shalt  }
0x84: {  	_ =	shalt  }
0x85: {  	_ =	shalt  }
0x86: {  	_ =	shalt  }
0x87: {  	_ =	shalt  }
.Lfunc_end0:
.L_simem_size_0:
called_computation_lowered:
.L_overlay_start_0:
0x88: {  	s2 =	sld [smem:$0x3FD9]  }
0x89: {  	s3 =	sld [smem:$0x3FFE];
	_ =	sdelay $0x1  }
0x8a: {  	s1 =	srdreg.scid  }
0x8b: {  	s0 =	sand.u32 $0x1, s1  }
0x8c: {  	s17 =	sshll.u32 s0, $0xA;
	s2 =	sadd.s32 s3, s2  }
0x8d: {  	s2 =	sadd.s32 s2, s17  }
0x8e: {  	[smem:$0x3FC6] =	sst s2  }
0x8f: {  	_ = 	snop  }
0x90: {  	s2 =	sld [smem:$0x3FC8]  }
0x91: {  	s18 =	sld [smem:$0x3FD0];
	(tm) =	ssettm $0x1  }
0x92: {  	s4 =	sld [smem:$0x3FFB];
	_ =	sdelay $0x3  }
0x93: {  	_ =	strace s4  }
0x94: {  	s4 =	sld [smem:$0x3FFC];
	_ =	sdelay $0x3  }
0x95: {  	_ =	strace s4  }
0x96: {  	s4 =	sld [smem:$0x3FFD];
	_ =	sdelay $0x3  }
0x97: {  	_ =	strace s4  }
0x98: {  	_ =	strace $0x8FFFFFFF  }
0x99: {  	s19 =	sld [smem:$0x3FDB];
	_ =	sdelay $0x1  }
0x9a: {  	s5 =	simm.s32 $_scs_section_size  }
0x9b: {  	s6 =	simm.s32 $_size__tile_overlayer_lowered;
	s7 =	simm.s32 $_tile_overlayer_lowered  }
0x9c: {  	s22 =	simm.s32 $0x1BFF;
	s21 =	sshll.u32 s7, $0x1;
	s4 =	sadd.s32 s5, s19  }
0x9d: {  	s8 =	simm.s32 $0x0;
	s20 =	sshll.u32 s6, $0x1;
	s6 =	sadd.s32 s21, s4  }
0x9e: {  	[timem:s8], [sflag:s22] =	dma.local [hbm:s6], s20  }
0x9f: {  	_ =	swait.ge [sflag:s22], s20  }
0xa0: {  	s5 =	ssub.s32 $0x0, s20;
	[sflag:s22] =	ssyncset.done $0x0  }
0xa1: {  	[sflag:s22] =	ssyncadd.s32 s5;
	_ =	sdelay $0x1  }
0xa2: {  	s23 =	simm.s32 $0x1B8B  }
0xa3: {  	_ =	swait.ge [sflag:s23], $0x1  }
0xa4: {  	[sflag:s23] =	ssyncset.done $0x0  }
0xa5: {  	s25 =	simm.s32 $0x1B8E;
	s24 =	sld [smem:$0x3FFE];
	[sflag:s23] =	ssyncadd.s32 $0xFFFFFFFF  }
0xa6: {  	s26 =	simm.s32 $execute0_lowered;
	[smem:$0x3FD2] =	sst s25  }
0xa7: {  	s6 =	sshll.u32 s26, $0x1;
	_ =	strace $0x80000046;
	[dreg:$0x1] =	wrdreg $0xFFFFFFFF  }
0xa8: {  	s28 =	simm.s32 $_size_execute0_lowered;
	s4 =	sadd.s32 s4, s6;
	[dreg:$0x0] =	wrdreg $0x0  }
0xa9: {  	s6 =	sshll.u32 s28, $0x1;
	[dreg:$0x2] =	wrdreg s4  }
0xaa: {  	[dreg:$0x3] =	wrdreg s6  }
0xab: {  	[dreg:$0x4] =	wrdreg $0xC0  }
0xac: {  	_ =	task [dreg:s8], $0x5FFFF  }
0xad: {  	[dreg:$0x1] =	wrdreg $0xFFFFFFFF  }
0xae: {  	[dreg:$0x0] =	wrdreg $0x60  }
0xaf: {  	[dreg:$0x2] =	wrdreg s18  }
0xb0: {  	[dreg:$0x3] =	wrdreg s2  }
0xb1: {  	[dreg:$0x4] =	wrdreg s24  }
0xb2: {  	[dreg:$0x5] =	wrdreg $0x9  }
0xb3: {  	_ =	task.clear_ibuf [dreg:s8], $0x6FFFF;
	_ =	strace $0x90000046  }
0xb4: {  	s29 =	simm.s32 $0x9;
	_ =	strace $0x80000048  }
0xb5: {  	_ =	swait.ge [sflag:s29], $0x1  }
0xb6: {  	[sflag:s29] =	ssyncadd.s32 $0xFFFFFFFF  }
0xb7: {  	_ =	strace $0x90000048  }
0xb8: {  	_ =	sfence  }
0xb9: {  	s30 =	sld [smem:$0x0];
	_ =	sdelay $0x2  }
0xba: {  	s31 =	sshll.u32 s1, $0xD;
	s1 =	sshrl.u32 s1, $0x2  }
0xbb: {  	s3 =	sand.u32 $0x4000, s31;
	s1 =	sadd.s32 s1, s30  }
0xbc: {  	s0 =	sor.u32 s3, s0;
	s1 =	sshll.u32 s1, $0x11  }
0xbd: {  	s0 =	sor.u32 s1, s0  }
0xbe: {  	s0 =	sadd.s32 $0x8F2B, s0  }
0xbf: {  	[sflag:s0] =	ssyncadd.remote.s32 $0x1  }
0xc0: {  	_ =	sfence.sel $0xFFFF  }
0xc1: {  	[dreg:$0x0] =	wrdreg $0xFFFFFFFF;
	(pc) =	sbr.abs _section_cstart, $3  }
0xc2: {  	[dreg:$0x1] =	wrdreg $0xFFFFFFFF  }
0xc3: {  	_ =	task.clear_ibuf [dreg:s8], $0x2FFFF;
	_ =	strace $0x9FFFFFFF  }
0xc4: {  	(tm) =	ssettm $0x7FFFFFFF  }
0xc5: {  	_ =	shalt  }
tec
execute0_lowered:
.L_overlay_start_1:
0x0: {  	(tag) =	ssettag $0x1  }
0x1: {  	s0 =	rddreg [dreg:$0x0]  }
0x2: {  	s1 =	srdreg.scid;
	s2 =	rddreg [dreg:$0x1]  }
0x3: {  	s4 =	rddreg [dreg:$0x2];
	s6 =	stileid.u32;
	s3 =	simm.s32 $0x0  }
0x4: {  	s28 =	simm.s32 $0x9200;
	s29 =	simm.s32 $0x9A00;
	s31 =	simm.s32 $0xA200  }
0x5: {  	s9 =	simm.s32 $0xC200;
	s10 =	simm.s32 $0xCA00;
	s11 =	simm.s32 $0xD200  }
0x6: {  	s12 =	simm.s32 $0xDA00;
	s13 =	simm.s32 $0xE200;
	s14 =	simm.s32 $0xEA00  }
0x7: {  	s15 =	simm.s32 $0xF200;
	s16 =	simm.s32 $0xFA00;
	s17 =	simm.s32 $0x10200  }
0x8: {  	s18 =	simm.s32 $0x1;
	s19 =	simm.s32 $0x80;
	s1 =	sand.u32 $0x1, s1  }
0x9: {  	s20 =	simm.s32 $0x3000;
	s21 =	simm.s32 $0x2;
	s5 =	sshll.u32 s1, $0x4  }
0xa: {  	s23 =	simm.s32 $0x4;
	[smem:$0x7FF] =	sst s3;
	s5 =	sor.u32 s6, s5  }
0xb: {  	s1 =	ssub.s32 $0x2, s1;
	_ =	strace $0x80000047;
	s6 =	smul.u32 $0x140, s5  }
0xc: {  	s7 =	sshrl.u32 s1, $0x1;
	s8 =	smul.u32 $0x180000, s5;
	s5 =	sadd.s32 $0x400, s4  }
.Ltmp0:
0xd: {  	s1 =	ssub.s32 s1, s7;
	s7 =	sadd.s32 $0x100, s2;
	(pc) =	sbr.rel .LBB2_1-.Ltmp0, $4  }
0xe: {  	s30 =	smax.u32 s1, $0x1;
	s1 =	simm.s32 $0xB200;
	[dreg:$0x4] =	wrdreg s8  }
0xf: {  	v2 =	vlaneseq.u32;
	s0 =	sadd.s32 s0, s6;
	s26 =	sadd.s32 $0xC0000, s8;
	[dreg:$0x7] =	wrdreg s30  }
0x10: {  	vm0 =	vmmov $0xffff;
	v1 =	vshrl.u32 v2, $0x3;
	s6 =	simm.s32 $0xBA00;
	s8 =	simm.s32 $0x0;
	[dreg:$0x5] =	wrdreg s0  }
0x11: {  	v0 =	vand.u32 $0x7, v2;
	v2 =	vor.u32 $0x8, v2;
	v1 =	vmul.u32 $0x8, v1;
	[dreg:$0x6] =	wrdreg s26;
	s26 =	simm.s32 $0x8A00;
	s0 =	simm.s32 $0xAA00  }
.LBB2_10:
0x12: {  	s4 =	simm.s32 $0x3  }
0x13: {  	_ =	swait.ge [sflag:s4], $0x8000  }
0x14: {  	[sflag:s4] =	ssyncset.done $0x0  }
0x15: {  	[sflag:s4] =	ssyncadd.s32 $0xFFFF8000  }
0x16: {  	_ =	swait.ge [sflag:s23], $0x8000  }
0x17: {  	s8 =	rddreg [dreg:$0x8]  }
0x18: {  	s30 =	rddreg [dreg:$0x7];
	s8 =	sadd.s32 $0x1, s8  }
0x19: {  	p0 =	sne.s32 s8, s30  }
.Ltmp1:
0x1a: {  	_ = 	snop;
	(pc) =	sbr.rel @!p0 .LBB2_11-.Ltmp1, $3  }
0x1b: {  	_ =	sdelay $0x1  }
0x1c: {  	[sflag:s23] =	ssyncset.done $0x0  }
0x1d: {  	[sflag:s23] =	ssyncadd.s32 $0xFFFF8000  }
.LBB2_1:
0x1e: {  	[dreg:$0x8] =	wrdreg s8  }
0x1f: {  	s4 =	rddreg [dreg:$0x5];
	s25 =	simm.s32 $0x5  }
0x20: {  	[tilespmem:s3], [sflag:$0x5] =	stream.linear.gather [hbm4b:s4+s3], $0xA00, $0x38;
	[tilespmem:$0x10A00] =	vst v63  }
0x21: {  	_ =	swait.ge [sflag:s25], $0xA00  }
0x22: {  	[sflag:s25] =	ssyncset.done $0x0  }
0x23: {  	[sflag:s25] =	ssyncadd.s32 $0xFFFFF600  }
0x24: {  	v3 =	vld [tilespmem:$0x0];
	_ =	sdelay $0x4  }
0x25: {  	v4 =	vshll.u32 v3, $0x2  }
0x26: {  	v3 =	vand.u32 $0x7, v3;
	v4 =	vand.u32 $0xFFFFFFE0, v4  }
0x27: {  	v3 =	vor.u32 v3, v4  }
0x28: {  	v4 =	vperm.xlane v3, v0;
	_ =	sdelay $0x1  }
0x29: {  	v4 =	vadd.s32 v1, v4;
	_ =	sdelay $0x1  }
0x2a: {  	v3 =	vperm.xlane v3, v2;
	_ =	sdelay $0x1  }
0x2b: {  	s30 =	simm.s32 $0xA00;
	v3 =	vadd.s32 v1, v3  }
0x2c: {  	[tilespmem:s30], [sflag:$0x1] =	stream.indirect_vreg.gather [hbm4b:s2+s3], $0x80, v4, vm0, $0xb8;
	[tilespmem:$0x10A00] =	vst v63  }
0x2d: {  	s8 =	simm.s32 $0x1200  }
0x2e: {  	[tilespmem:s8], [sflag:$0x1] =	stream.indirect_vreg.gather [hbm4b:s7+s3], $0x80, v4, vm0, $0xb8;
	[tilespmem:$0x10A00] =	vst v63  }
0x2f: {  	s22 =	simm.s32 $0x1A00  }
0x30: {  	[tilespmem:s22], [sflag:$0x1] =	stream.indirect_vreg.gather [hbm4b:s2+s3], $0x80, v3, vm0, $0xb8;
	[tilespmem:$0x10A00] =	vst v63  }
0x31: {  	s24 =	simm.s32 $0x2200  }
0x32: {  	[tilespmem:s24], [sflag:$0x1] =	stream.indirect_vreg.gather [hbm4b:s7+s3], $0x80, v3, vm0, $0xb8;
	[tilespmem:$0x10A00] =	vst v63  }
0x33: {  	v3 =	vld [tilespmem:$0x10];
	_ =	sdelay $0x4  }
0x34: {  	v57 =	vshll.u32 v3, $0x2  }
0x35: {  	v3 =	vand.u32 $0x7, v3;
	v4 =	vand.u32 $0xFFFFFFE0, v57  }
0x36: {  	v3 =	vor.u32 v3, v4  }
0x37: {  	v4 =	vperm.xlane v3, v0;
	_ =	sdelay $0x1  }
0x38: {  	v4 =	vadd.s32 v1, v4;
	_ =	sdelay $0x1  }
0x39: {  	v3 =	vperm.xlane v3, v2;
	_ =	sdelay $0x1  }
0x3a: {  	s25 =	simm.s32 $0x2A00;
	v3 =	vadd.s32 v1, v3  }
0x3b: {  	[tilespmem:s25], [sflag:$0x1] =	stream.indirect_vreg.gather [hbm4b:s2+s3], $0x80, v4, vm0, $0xb8;
	[tilespmem:$0x10A00] =	vst v63  }
0x3c: {  	s30 =	simm.s32 $0x3200  }
0x3d: {  	[tilespmem:s30], [sflag:$0x1] =	stream.indirect_vreg.gather [hbm4b:s7+s3], $0x80, v4, vm0, $0xb8;
	[tilespmem:$0x10A00] =	vst v63  }
0x3e: {  	s8 =	simm.s32 $0x3A00  }
0x3f: {  	[tilespmem:s8], [sflag:$0x1] =	stream.indirect_vreg.gather [hbm4b:s2+s3], $0x80, v3, vm0, $0xb8;
	[tilespmem:$0x10A00] =	vst v63  }
0x40: {  	s22 =	simm.s32 $0x4200  }
0x41: {  	[tilespmem:s22], [sflag:$0x1] =	stream.indirect_vreg.gather [hbm4b:s7+s3], $0x80, v3, vm0, $0xb8;
	[tilespmem:$0x10A00] =	vst v63  }
0x42: {  	v3 =	vld [tilespmem:$0x20];
	_ =	sdelay $0x4  }
0x43: {  	v58 =	vshll.u32 v3, $0x2  }
0x44: {  	v3 =	vand.u32 $0x7, v3;
	v4 =	vand.u32 $0xFFFFFFE0, v58  }
0x45: {  	v3 =	vor.u32 v3, v4  }
0x46: {  	v4 =	vperm.xlane v3, v0;
	_ =	sdelay $0x1  }
0x47: {  	v4 =	vadd.s32 v1, v4;
	_ =	sdelay $0x1  }
0x48: {  	v3 =	vperm.xlane v3, v2;
	_ =	sdelay $0x1  }
0x49: {  	s24 =	simm.s32 $0x4A00;
	v3 =	vadd.s32 v1, v3  }
0x4a: {  	[tilespmem:s24], [sflag:$0x1] =	stream.indirect_vreg.gather [hbm4b:s2+s3], $0x80, v4, vm0, $0xb8;
	[tilespmem:$0x10A00] =	vst v63  }
0x4b: {  	s25 =	simm.s32 $0x5200  }
0x4c: {  	[tilespmem:s25], [sflag:$0x1] =	stream.indirect_vreg.gather [hbm4b:s7+s3], $0x80, v4, vm0, $0xb8;
	[tilespmem:$0x10A00] =	vst v63  }
0x4d: {  	s30 =	simm.s32 $0x5A00  }
0x4e: {  	[tilespmem:s30], [sflag:$0x1] =	stream.indirect_vreg.gather [hbm4b:s2+s3], $0x80, v3, vm0, $0xb8;
	[tilespmem:$0x10A00] =	vst v63  }
0x4f: {  	s8 =	simm.s32 $0x6200  }
0x50: {  	[tilespmem:s8], [sflag:$0x1] =	stream.indirect_vreg.gather [hbm4b:s7+s3], $0x80, v3, vm0, $0xb8;
	[tilespmem:$0x10A00] =	vst v63  }
0x51: {  	v3 =	vld [tilespmem:$0x30];
	_ =	sdelay $0x4  }
0x52: {  	v59 =	vshll.u32 v3, $0x2  }
0x53: {  	v3 =	vand.u32 $0x7, v3;
	v4 =	vand.u32 $0xFFFFFFE0, v59  }
0x54: {  	v3 =	vor.u32 v3, v4  }
0x55: {  	v4 =	vperm.xlane v3, v0;
	_ =	sdelay $0x1  }
0x56: {  	v4 =	vadd.s32 v1, v4;
	_ =	sdelay $0x1  }
0x57: {  	v3 =	vperm.xlane v3, v2;
	_ =	sdelay $0x1  }
0x58: {  	s22 =	simm.s32 $0x6A00;
	v3 =	vadd.s32 v1, v3  }
0x59: {  	[tilespmem:s22], [sflag:$0x1] =	stream.indirect_vreg.gather [hbm4b:s2+s3], $0x80, v4, vm0, $0xb8;
	[tilespmem:$0x10A00] =	vst v63  }
0x5a: {  	s24 =	simm.s32 $0x7200  }
0x5b: {  	[tilespmem:s24], [sflag:$0x1] =	stream.indirect_vreg.gather [hbm4b:s7+s3], $0x80, v4, vm0, $0xb8;
	[tilespmem:$0x10A00] =	vst v63  }
0x5c: {  	s25 =	simm.s32 $0x7A00  }
0x5d: {  	[tilespmem:s25], [sflag:$0x1] =	stream.indirect_vreg.gather [hbm4b:s2+s3], $0x80, v3, vm0, $0xb8;
	[tilespmem:$0x10A00] =	vst v63  }
0x5e: {  	s30 =	simm.s32 $0x8200  }
0x5f: {  	[tilespmem:s30], [sflag:$0x1] =	stream.indirect_vreg.gather [hbm4b:s7+s3], $0x80, v3, vm0, $0xb8;
	[tilespmem:$0x10A00] =	vst v63  }
0x60: {  	v3 =	vld [tilespmem:$0x40];
	_ =	sdelay $0x4  }
0x61: {  	v60 =	vshll.u32 v3, $0x2  }
0x62: {  	v3 =	vand.u32 $0x7, v3;
	v4 =	vand.u32 $0xFFFFFFE0, v60  }
0x63: {  	v3 =	vor.u32 v3, v4  }
0x64: {  	v4 =	vperm.xlane v3, v0;
	_ =	sdelay $0x1  }
0x65: {  	v4 =	vadd.s32 v1, v4;
	_ =	sdelay $0x1  }
0x66: {  	v3 =	vperm.xlane v3, v2;
	_ =	sdelay $0x1  }
0x67: {  	v3 =	vadd.s32 v1, v3  }
0x68: {  	[tilespmem:s26], [sflag:$0x2] =	stream.indirect_vreg.gather [hbm4b:s2+s3], $0x80, v4, vm0, $0xb8;
	[tilespmem:$0x10A00] =	vst v63  }
0x69: {  	_ = 	snop  }
0x6a: {  	[tilespmem:s28], [sflag:$0x2] =	stream.indirect_vreg.gather [hbm4b:s7+s3], $0x80, v4, vm0, $0xb8;
	[tilespmem:$0x10A00] =	vst v63  }
0x6b: {  	_ = 	snop  }
0x6c: {  	[tilespmem:s29], [sflag:$0x2] =	stream.indirect_vreg.gather [hbm4b:s2+s3], $0x80, v3, vm0, $0xb8;
	[tilespmem:$0x10A00] =	vst v63  }
0x6d: {  	_ = 	snop  }
0x6e: {  	[tilespmem:s31], [sflag:$0x2] =	stream.indirect_vreg.gather [hbm4b:s7+s3], $0x80, v3, vm0, $0xb8;
	[tilespmem:$0x10A00] =	vst v63  }
0x6f: {  	v3 =	vld [tilespmem:$0x50];
	_ =	sdelay $0x4  }
0x70: {  	v61 =	vshll.u32 v3, $0x2  }
0x71: {  	v3 =	vand.u32 $0x7, v3;
	v4 =	vand.u32 $0xFFFFFFE0, v61  }
0x72: {  	v3 =	vor.u32 v3, v4  }
0x73: {  	v4 =	vperm.xlane v3, v0;
	_ =	sdelay $0x1  }
0x74: {  	v4 =	vadd.s32 v1, v4;
	_ =	sdelay $0x1  }
0x75: {  	v3 =	vperm.xlane v3, v2;
	_ =	sdelay $0x1  }
0x76: {  	v3 =	vadd.s32 v1, v3  }
0x77: {  	[tilespmem:s0], [sflag:$0x2] =	stream.indirect_vreg.gather [hbm4b:s2+s3], $0x80, v4, vm0, $0xb8;
	[tilespmem:$0x10A00] =	vst v63  }
0x78: {  	_ = 	snop  }
0x79: {  	[tilespmem:s1], [sflag:$0x2] =	stream.indirect_vreg.gather [hbm4b:s7+s3], $0x80, v4, vm0, $0xb8;
	[tilespmem:$0x10A00] =	vst v63  }
0x7a: {  	_ = 	snop  }
0x7b: {  	[tilespmem:s6], [sflag:$0x2] =	stream.indirect_vreg.gather [hbm4b:s2+s3], $0x80, v3, vm0, $0xb8;
	[tilespmem:$0x10A00] =	vst v63  }
0x7c: {  	_ = 	snop  }
0x7d: {  	[tilespmem:s9], [sflag:$0x2] =	stream.indirect_vreg.gather [hbm4b:s7+s3], $0x80, v3, vm0, $0xb8;
	[tilespmem:$0x10A00] =	vst v63  }
0x7e: {  	v3 =	vld [tilespmem:$0x60];
	_ =	sdelay $0x4  }
0x7f: {  	v62 =	vshll.u32 v3, $0x2  }
0x80: {  	v3 =	vand.u32 $0x7, v3;
	v4 =	vand.u32 $0xFFFFFFE0, v62  }
0x81: {  	v3 =	vor.u32 v3, v4  }
0x82: {  	v4 =	vperm.xlane v3, v0;
	_ =	sdelay $0x1  }
0x83: {  	v4 =	vadd.s32 v1, v4;
	_ =	sdelay $0x1  }
0x84: {  	v3 =	vperm.xlane v3, v2;
	_ =	sdelay $0x1  }
0x85: {  	v3 =	vadd.s32 v1, v3  }
0x86: {  	[tilespmem:s10], [sflag:$0x2] =	stream.indirect_vreg.gather [hbm4b:s2+s3], $0x80, v4, vm0, $0xb8;
	[tilespmem:$0x10A00] =	vst v63  }
0x87: {  	_ = 	snop  }
0x88: {  	[tilespmem:s11], [sflag:$0x2] =	stream.indirect_vreg.gather [hbm4b:s7+s3], $0x80, v4, vm0, $0xb8;
	[tilespmem:$0x10A00] =	vst v63  }
0x89: {  	_ = 	snop  }
0x8a: {  	[tilespmem:s12], [sflag:$0x2] =	stream.indirect_vreg.gather [hbm4b:s2+s3], $0x80, v3, vm0, $0xb8;
	[tilespmem:$0x10A00] =	vst v63  }
0x8b: {  	_ = 	snop  }
0x8c: {  	[tilespmem:s13], [sflag:$0x2] =	stream.indirect_vreg.gather [hbm4b:s7+s3], $0x80, v3, vm0, $0xb8;
	[tilespmem:$0x10A00] =	vst v63  }
0x8d: {  	v3 =	vld [tilespmem:$0x70];
	_ =	sdelay $0x4  }
0x8e: {  	v63 =	vshll.u32 v3, $0x2  }
0x8f: {  	v3 =	vand.u32 $0x7, v3;
	v4 =	vand.u32 $0xFFFFFFE0, v63  }
0x90: {  	v3 =	vor.u32 v3, v4  }
0x91: {  	v4 =	vperm.xlane v3, v0;
	_ =	sdelay $0x1  }
0x92: {  	v4 =	vadd.s32 v1, v4;
	_ =	sdelay $0x1  }
0x93: {  	v3 =	vperm.xlane v3, v2;
	_ =	sdelay $0x1  }
0x94: {  	v3 =	vadd.s32 v1, v3  }
0x95: {  	[tilespmem:s14], [sflag:$0x2] =	stream.indirect_vreg.gather [hbm4b:s2+s3], $0x80, v4, vm0, $0xb8;
	[tilespmem:$0x10A00] =	vst v63  }
0x96: {  	_ = 	snop  }
0x97: {  	[tilespmem:s15], [sflag:$0x2] =	stream.indirect_vreg.gather [hbm4b:s7+s3], $0x80, v4, vm0, $0xb8;
	[tilespmem:$0x10A00] =	vst v63  }
0x98: {  	_ = 	snop  }
0x99: {  	[tilespmem:s16], [sflag:$0x2] =	stream.indirect_vreg.gather [hbm4b:s2+s3], $0x80, v3, vm0, $0xb8;
	[tilespmem:$0x10A00] =	vst v63  }
0x9a: {  	s24 =	simm.s32 $0x0  }
0x9b: {  	[tilespmem:s17], [sflag:$0x2] =	stream.indirect_vreg.gather [hbm4b:s7+s3], $0x80, v3, vm0, $0xb8;
	[tilespmem:$0x10A00] =	vst v63  }
.LBB2_2:
0x9c: {  	_ =	swait.ge [sflag:s18], $0x8000;
	s4 =	simm.s32 $0x0  }
0x9d: {  	[sflag:s18] =	ssyncset.done $0x0;
	s8 =	sand.u32 $0x7000, s4;
	s4 =	sand.u32 $0x380, s4  }
0x9e: {  	[sflag:s18] =	ssyncadd.s32 $0xFFFF8000;
	s4 =	sor.u32 s4, s8  }
0x9f: {  	v3 =	vld [tilespmem:s4+$0xE70]  }
0xa0: {  	v4 =	vld [tilespmem:s4+$0x1200]  }
0xa1: {  	v5 =	vld [tilespmem:s4+$0x1210]  }
0xa2: {  	v6 =	vld [tilespmem:s4+$0xE60]  }
0xa3: {  	v7 =	vld [tilespmem:s4+$0xE50]  }
0xa4: {  	v8 =	vld [tilespmem:s4+$0x1220]  }
0xa5: {  	v9 =	vld [tilespmem:s4+$0xE40]  }
0xa6: {  	v10 =	vld [tilespmem:s4+$0x1670]  }
0xa7: {  	v11 =	vld [tilespmem:s4+$0x1610]  }
0xa8: {  	v12 =	vld [tilespmem:s4+$0x1650]  }
0xa9: {  	v16 =	vld [tilespmem:s4+$0x1230]  }
0xaa: {  	v17 =	vld [tilespmem:s4+$0x1240]  }
0xab: {  	v14 =	vld [tilespmem:s4+$0x1600]  }
0xac: {  	v13 =	vld [tilespmem:s4+$0x1640]  }
0xad: {  	v15 =	vld [tilespmem:s4+$0xE30];
	v11 =	vmul.f32 $2.262741660e+01, v11  }
0xae: {  	v18 =	vld [tilespmem:s4+$0xE20];
	v10 =	vmul.f32 $2.262741660e+01, v10  }
0xaf: {  	v19 =	vld [tilespmem:s4+$0xE10];
	v12 =	vmul.f32 $2.262741660e+01, v12;
	[tilespmem:s4+$0x1610] =	vst v11  }
0xb0: {  	v24 =	vld [tilespmem:s4+$0xA00];
	v14 =	vmul.f32 $2.262741660e+01, v14;
	[tilespmem:s4+$0x1670] =	vst v10  }
0xb1: {  	v10 =	vld [tilespmem:s4+$0x1620];
	v11 =	vmul.f32 $2.262741660e+01, v13;
	[tilespmem:s4+$0x1650] =	vst v12  }
0xb2: {  	v15 =	vmul.f32 $2.262741660e+01, v15;
	v13 =	vld [tilespmem:s4+$0xE00];
	[tilespmem:s4+$0x1600] =	vst v14  }
0xb3: {  	v12 =	vld [tilespmem:s4+$0xA70];
	[tilespmem:s4+$0x1640] =	vst v11;
	v11 =	vmul.f32 $2.262741660e+01, v18  }
0xb4: {  	v20 =	vld [tilespmem:s4+$0xA60];
	[tilespmem:s4+$0xE30] =	vst v15;
	v18 =	vmul.f32 $2.262741660e+01, v9;
	v9 =	vmul.f32 $2.262741660e+01, v19  }
0xb5: {  	v22 =	vld [tilespmem:s4+$0x1260];
	v21 =	vmul.f32 $2.262741660e+01, v7;
	[tilespmem:s4+$0xE20] =	vst v11;
	v11 =	vmul.f32 $2.262741660e+01, v6  }
0xb6: {  	v19 =	vld [tilespmem:s4+$0x1250];
	[tilespmem:s4+$0xE10] =	vst v9;
	v9 =	vmul.f32 $2.262741660e+01, v8;
	v8 =	vmul.f32 $2.262741660e+01, v24  }
0xb7: {  	v23 =	vld [tilespmem:s4+$0x1270];
	[tilespmem:s4+$0xE50] =	vst v21;
	v7 =	vmul.f32 $2.262741660e+01, v10;
	v6 =	vmul.f32 $2.262741660e+01, v13  }
0xb8: {  	v14 =	vld [tilespmem:s4+$0xA10];
	[tilespmem:s4+$0xE40] =	vst v18;
	v10 =	vmul.f32 $2.262741660e+01, v3;
	v3 =	vmul.f32 $2.262741660e+01, v12  }
0xb9: {  	v15 =	vld [tilespmem:s4+$0xA40];
	v12 =	vmul.f32 $2.262741660e+01, v4;
	v4 =	vmul.f32 $2.262741660e+01, v20;
	[tilespmem:s4+$0x1620] =	vst v7  }
0xba: {  	v13 =	vmul.f32 $2.262741660e+01, v5;
	[tilespmem:s4+$0xE00] =	vst v6;
	v6 =	vmul.f32 $2.262741660e+01, v16;
	v16 =	vld [tilespmem:s4+$0xA20]  }
0xbb: {  	[tilespmem:s4+$0xA70] =	vst v3;
	v7 =	vmul.f32 $2.262741660e+01, v17;
	v5 =	vmul.f32 $2.262741660e+01, v19;
	v17 =	vld [tilespmem:s4+$0xA30]  }
0xbc: {  	s22 =	simm.s32 $0x200;
	s8 =	simm.s32 $0x80;
	v18 =	vld [tilespmem:s4+$0x1630];
	[tilespmem:s4+$0xA60] =	vst v4;
	v4 =	vmul.f32 $2.262741660e+01, v22;
	v3 =	vmul.f32 $2.262741660e+01, v23  }
.LBB2_3:
0xbd: {  	s25 =	sand.u32 $0x7000, s22;
	s26 =	sand.u32 $0x380, s8;
	v14 =	vmul.f32 $2.262741660e+01, v14;
	[tilespmem:s4+$0xE60] =	vst v11;
	v11 =	vld [tilespmem:s4+$0x1660]  }
0xbe: {  	p0 =	sne.s32 s22, $0x7E00;
	s22 =	sadd.s32 $0x200, s22;
	s25 =	sor.u32 s26, s25;
	v15 =	vmul.f32 $2.262741660e+01, v15;
	v19 =	vld [tilespmem:s4+$0xA50];
	[tilespmem:s4+$0xE70] =	vst v10  }
0xbf: {  	v10 =	vld [tilespmem:s25+$0xE70];
	v16 =	vmul.f32 $2.262741660e+01, v16;
	[tilespmem:s4+$0x1200] =	vst v12  }
0xc0: {  	v12 =	vld [tilespmem:s25+$0x1200];
	v17 =	vmul.f32 $2.262741660e+01, v17;
	[tilespmem:s4+$0x1210] =	vst v13  }
0xc1: {  	v13 =	vld [tilespmem:s25+$0x1210];
	[tilespmem:s4+$0xA20] =	vst v16;
	v16 =	vmul.f32 $2.262741660e+01, v18  }
0xc2: {  	v18 =	vld [tilespmem:s25+$0xE60];
	[tilespmem:s4+$0xA30] =	vst v17;
	v11 =	vmul.f32 $2.262741660e+01, v11  }
0xc3: {  	v17 =	vld [tilespmem:s25+$0xE50];
	v19 =	vmul.f32 $2.262741660e+01, v19;
	[tilespmem:s4+$0x1220] =	vst v9  }
0xc4: {  	v9 =	vld [tilespmem:s25+$0x1220];
	[tilespmem:s4+$0x1630] =	vst v16  }
0xc5: {  	v16 =	vld [tilespmem:s25+$0xE40];
	[tilespmem:s4+$0xA50] =	vst v19  }
0xc6: {  	v19 =	vld [tilespmem:s25+$0x1670];
	[tilespmem:s4+$0xA40] =	vst v15  }
0xc7: {  	v15 =	vld [tilespmem:s25+$0x1610];
	[tilespmem:s4+$0x1660] =	vst v11  }
0xc8: {  	v11 =	vld [tilespmem:s25+$0x1650];
	[tilespmem:s4+$0x1230] =	vst v6  }
0xc9: {  	v6 =	vld [tilespmem:s25+$0x1230];
	[tilespmem:s4+$0x1240] =	vst v7  }
0xca: {  	v7 =	vld [tilespmem:s25+$0x1240];
	[tilespmem:s4+$0xA10] =	vst v14  }
0xcb: {  	v14 =	vld [tilespmem:s25+$0x1640];
	[tilespmem:s4+$0x1250] =	vst v5  }
0xcc: {  	v19 =	vmul.f32 $2.262741660e+01, v19;
	v5 =	vld [tilespmem:s25+$0x1600];
	[tilespmem:s4+$0x1260] =	vst v4  }
0xcd: {  	v4 =	vld [tilespmem:s25+$0xE30];
	[tilespmem:s4+$0xA00] =	vst v8  }
0xce: {  	v15 =	vmul.f32 $2.262741660e+01, v15;
	v8 =	vld [tilespmem:s25+$0xE20];
	[tilespmem:s4+$0x1270] =	vst v3;
	s4 =	smov.u32 s25  }
0xcf: {  	v11 =	vmul.f32 $2.262741660e+01, v11;
	v3 =	vld [tilespmem:s4+$0xE10];
	[tilespmem:s4+$0x1670] =	vst v19  }
0xd0: {  	v19 =	vmul.f32 $2.262741660e+01, v16;
	[tilespmem:s4+$0x1610] =	vst v15;
	v15 =	vld [tilespmem:s4+$0x1620];
	v14 =	vmul.f32 $2.262741660e+01, v14  }
0xd1: {  	v20 =	vmul.f32 $2.262741660e+01, v17;
	v16 =	vld [tilespmem:s4+$0xE00];
	v5 =	vmul.f32 $2.262741660e+01, v5;
	[tilespmem:s4+$0x1650] =	vst v11  }
0xd2: {  	v11 =	vmul.f32 $2.262741660e+01, v18;
	v17 =	vld [tilespmem:s4+$0xA70];
	v4 =	vmul.f32 $2.262741660e+01, v4;
	[tilespmem:s4+$0x1640] =	vst v14  }
0xd3: {  	v10 =	vmul.f32 $2.262741660e+01, v10;
	v18 =	vld [tilespmem:s4+$0xA60];
	v8 =	vmul.f32 $2.262741660e+01, v8;
	[tilespmem:s4+$0x1600] =	vst v5  }
0xd4: {  	v12 =	vmul.f32 $2.262741660e+01, v12;
	v3 =	vmul.f32 $2.262741660e+01, v3;
	[tilespmem:s4+$0xE30] =	vst v4;
	v4 =	vld [tilespmem:s4+$0x1250]  }
0xd5: {  	v13 =	vmul.f32 $2.262741660e+01, v13;
	[tilespmem:s4+$0xE20] =	vst v8;
	v8 =	vld [tilespmem:s4+$0x1260];
	v5 =	vmul.f32 $2.262741660e+01, v15  }
0xd6: {  	v9 =	vmul.f32 $2.262741660e+01, v9;
	v15 =	vmul.f32 $2.262741660e+01, v16;
	[tilespmem:s4+$0xE10] =	vst v3;
	v3 =	vld [tilespmem:s4+$0x1270]  }
0xd7: {  	v6 =	vmul.f32 $2.262741660e+01, v6;
	v21 =	vld [tilespmem:s4+$0xA00];
	v16 =	vmul.f32 $2.262741660e+01, v17;
	[tilespmem:s4+$0x1620] =	vst v5  }
.Ltmp2:
0xd8: {  	v7 =	vmul.f32 $2.262741660e+01, v7;
	v14 =	vld [tilespmem:s4+$0xA10];
	v17 =	vmul.f32 $2.262741660e+01, v18;
	[tilespmem:s4+$0xE00] =	vst v15;
	(pc) =	sbr.rel @p0 .LBB2_3-.Ltmp2, $4  }
0xd9: {  	v15 =	vld [tilespmem:s4+$0xA40];
	[tilespmem:s4+$0xA70] =	vst v16;
	v5 =	vmul.f32 $2.262741660e+01, v4  }
0xda: {  	v16 =	vld [tilespmem:s4+$0xA20];
	[tilespmem:s4+$0xA60] =	vst v17;
	v4 =	vmul.f32 $2.262741660e+01, v8  }
0xdb: {  	v17 =	vld [tilespmem:s4+$0xA30];
	[tilespmem:s4+$0xE40] =	vst v19;
	v3 =	vmul.f32 $2.262741660e+01, v3  }
0xdc: {  	s8 =	sadd.s32 $0x80, s8;
	v8 =	vmul.f32 $2.262741660e+01, v21;
	[tilespmem:s4+$0xE50] =	vst v20;
	v18 =	vld [tilespmem:s4+$0x1630]  }
0xdd: {  	[tilespmem:s4+$0xE60] =	vst v11  }
0xde: {  	[tilespmem:s4+$0xE70] =	vst v10  }
0xdf: {  	[tilespmem:s4+$0x1200] =	vst v12  }
0xe0: {  	[tilespmem:s4+$0x1210] =	vst v13  }
0xe1: {  	[tilespmem:s4+$0x1220] =	vst v9  }
0xe2: {  	[tilespmem:s4+$0x1230] =	vst v6  }
0xe3: {  	[tilespmem:s4+$0x1240] =	vst v7  }
0xe4: {  	[tilespmem:s4+$0x1250] =	vst v5  }
0xe5: {  	[tilespmem:s4+$0x1260] =	vst v4  }
0xe6: {  	v56 =	vld [tilespmem:s4+$0xA50];
	v63 =	vmul.f32 $2.262741660e+01, v14;
	[tilespmem:s4+$0x1270] =	vst v3  }
0xe7: {  	v58 =	vld [tilespmem:s4+$0x1660];
	v61 =	vmul.f32 $2.262741660e+01, v15;
	[tilespmem:s4+$0xA00] =	vst v8  }
0xe8: {  	v57 =	vmul.f32 $2.262741660e+01, v16;
	[tilespmem:s4+$0xA10] =	vst v63  }
0xe9: {  	s25 =	sshll.u32 s24, $0x9;
	s8 =	sshll.u32 s24, $0x7;
	v59 =	vmul.f32 $2.262741660e+01, v17;
	[tilespmem:s4+$0xA40] =	vst v61  }
0xea: {  	s22 =	sand.u32 $0x3000, s25;
	s26 =	sand.u32 $0x380, s8;
	[tilespmem:s4+$0xA20] =	vst v57;
	v60 =	vmul.f32 $2.262741660e+01, v18  }
0xeb: {  	s28 =	rddreg [dreg:$0x4];
	s8 =	sor.u32 s22, s26;
	[tilespmem:s4+$0xA30] =	vst v59;
	v11 =	vmul.f32 $2.262741660e+01, v56  }
0xec: {  	s8 =	sor.u32 s28, s8;
	v62 =	vmul.f32 $2.262741660e+01, v58;
	[tilespmem:s4+$0x1630] =	vst v60  }
0xed: {  	s8 =	sshrl.u32 s8, $0x3;
	[tilespmem:s4+$0xA50] =	vst v11  }
0xee: {  	s28 =	simm.s32 $0xA00;
	[tilespmem:s4+$0x1660] =	vst v62;
	s4 =	sadd.s32 s5, s8  }
0xef: {  	[hbm4b:s4+s19] =	stream.strided.scatter [tilespmem:s28], [sflag:$0x3], $0x400, s20, s19, $0x38;
	[tilespmem:$0x10A00] =	vst v63  }
0xf0: {  	s30 =	simm.s32 $0xE00;
	s29 =	sadd.s32 $0x80, s4  }
0xf1: {  	[hbm4b:s29+s19] =	stream.strided.scatter [tilespmem:s30], [sflag:$0x3], $0x400, s20, s19, $0x38;
	[tilespmem:$0x10A00] =	vst v63  }
0xf2: {  	s29 =	sadd.s32 $0x100, s4;
	s30 =	simm.s32 $0x1200  }
0xf3: {  	[hbm4b:s29+s19] =	stream.strided.scatter [tilespmem:s30], [sflag:$0x3], $0x400, s20, s19, $0x38;
	[tilespmem:$0x10A00] =	vst v63  }
0xf4: {  	s29 =	sadd.s32 $0x180, s4;
	s30 =	simm.s32 $0x1600  }
0xf5: {  	[hbm4b:s29+s19] =	stream.strided.scatter [tilespmem:s30], [sflag:$0x3], $0x400, s20, s19, $0x38;
	[tilespmem:$0x10A00] =	vst v63  }
0xf6: {  	s29 =	sadd.s32 $0x3000, s4;
	s30 =	simm.s32 $0x1A00  }
0xf7: {  	[hbm4b:s29+s19] =	stream.strided.scatter [tilespmem:s30], [sflag:$0x3], $0x400, s20, s19, $0x38;
	[tilespmem:$0x10A00] =	vst v63  }
0xf8: {  	s29 =	sadd.s32 $0x3080, s4;
	s30 =	simm.s32 $0x1E00  }
0xf9: {  	[hbm4b:s29+s19] =	stream.strided.scatter [tilespmem:s30], [sflag:$0x3], $0x400, s20, s19, $0x38;
	[tilespmem:$0x10A00] =	vst v63  }
0xfa: {  	s29 =	sadd.s32 $0x3100, s4;
	s30 =	simm.s32 $0x2200  }
0xfb: {  	[hbm4b:s29+s19] =	stream.strided.scatter [tilespmem:s30], [sflag:$0x3], $0x400, s20, s19, $0x38;
	[tilespmem:$0x10A00] =	vst v63  }
0xfc: {  	s29 =	sadd.s32 $0x3180, s4;
	s30 =	simm.s32 $0x2600  }
0xfd: {  	[hbm4b:s29+s19] =	stream.strided.scatter [tilespmem:s30], [sflag:$0x3], $0x400, s20, s19, $0x38;
	[tilespmem:$0x10A00] =	vst v63  }
0xfe: {  	s29 =	sadd.s32 $0x6000, s4;
	s30 =	simm.s32 $0x2A00  }
0xff: {  	[hbm4b:s29+s19] =	stream.strided.scatter [tilespmem:s30], [sflag:$0x3], $0x400, s20, s19, $0x38;
	[tilespmem:$0x10A00] =	vst v63  }
0x100: {  	s29 =	sadd.s32 $0x6080, s4;
	s30 =	simm.s32 $0x2E00  }
0x101: {  	[hbm4b:s29+s19] =	stream.strided.scatter [tilespmem:s30], [sflag:$0x3], $0x400, s20, s19, $0x38;
	[tilespmem:$0x10A00] =	vst v63  }
0x102: {  	s29 =	sadd.s32 $0x6100, s4;
	s30 =	simm.s32 $0x3200  }
0x103: {  	[hbm4b:s29+s19] =	stream.strided.scatter [tilespmem:s30], [sflag:$0x3], $0x400, s20, s19, $0x38;
	[tilespmem:$0x10A00] =	vst v63  }
0x104: {  	s29 =	sadd.s32 $0x6180, s4;
	s30 =	simm.s32 $0x3600  }
0x105: {  	[hbm4b:s29+s19] =	stream.strided.scatter [tilespmem:s30], [sflag:$0x3], $0x400, s20, s19, $0x38;
	[tilespmem:$0x10A00] =	vst v63  }
0x106: {  	s29 =	sadd.s32 $0x9000, s4;
	s30 =	simm.s32 $0x3A00  }
0x107: {  	[hbm4b:s29+s19] =	stream.strided.scatter [tilespmem:s30], [sflag:$0x3], $0x400, s20, s19, $0x38;
	[tilespmem:$0x10A00] =	vst v63  }
0x108: {  	s29 =	sadd.s32 $0x9080, s4;
	s30 =	simm.s32 $0x3E00  }
0x109: {  	[hbm4b:s29+s19] =	stream.strided.scatter [tilespmem:s30], [sflag:$0x3], $0x400, s20, s19, $0x38;
	[tilespmem:$0x10A00] =	vst v63  }
0x10a: {  	s29 =	sadd.s32 $0x9100, s4;
	s30 =	simm.s32 $0x4200  }
0x10b: {  	[hbm4b:s29+s19] =	stream.strided.scatter [tilespmem:s30], [sflag:$0x3], $0x400, s20, s19, $0x38;
	[tilespmem:$0x10A00] =	vst v63  }
0x10c: {  	s29 =	sadd.s32 $0x9180, s4;
	s30 =	simm.s32 $0x4600  }
0x10d: {  	[hbm4b:s29+s19] =	stream.strided.scatter [tilespmem:s30], [sflag:$0x3], $0x400, s20, s19, $0x38;
	[tilespmem:$0x10A00] =	vst v63  }
0x10e: {  	s29 =	sadd.s32 $0xC000, s4;
	s30 =	simm.s32 $0x4A00  }
0x10f: {  	[hbm4b:s29+s19] =	stream.strided.scatter [tilespmem:s30], [sflag:$0x3], $0x400, s20, s19, $0x38;
	[tilespmem:$0x10A00] =	vst v63  }
0x110: {  	s29 =	sadd.s32 $0xC080, s4;
	s30 =	simm.s32 $0x4E00  }
0x111: {  	[hbm4b:s29+s19] =	stream.strided.scatter [tilespmem:s30], [sflag:$0x3], $0x400, s20, s19, $0x38;
	[tilespmem:$0x10A00] =	vst v63  }
0x112: {  	s29 =	sadd.s32 $0xC100, s4;
	s30 =	simm.s32 $0x5200  }
0x113: {  	[hbm4b:s29+s19] =	stream.strided.scatter [tilespmem:s30], [sflag:$0x3], $0x400, s20, s19, $0x38;
	[tilespmem:$0x10A00] =	vst v63  }
0x114: {  	s29 =	sadd.s32 $0xC180, s4;
	s30 =	simm.s32 $0x5600  }
0x115: {  	[hbm4b:s29+s19] =	stream.strided.scatter [tilespmem:s30], [sflag:$0x3], $0x400, s20, s19, $0x38;
	[tilespmem:$0x10A00] =	vst v63  }
0x116: {  	s29 =	sadd.s32 $0xF000, s4;
	s30 =	simm.s32 $0x5A00  }
0x117: {  	[hbm4b:s29+s19] =	stream.strided.scatter [tilespmem:s30], [sflag:$0x3], $0x400, s20, s19, $0x38;
	[tilespmem:$0x10A00] =	vst v63  }
0x118: {  	s29 =	sadd.s32 $0xF080, s4;
	s30 =	simm.s32 $0x5E00  }
0x119: {  	[hbm4b:s29+s19] =	stream.strided.scatter [tilespmem:s30], [sflag:$0x3], $0x400, s20, s19, $0x38;
	[tilespmem:$0x10A00] =	vst v63  }
0x11a: {  	s29 =	sadd.s32 $0xF100, s4;
	s30 =	simm.s32 $0x6200  }
0x11b: {  	[hbm4b:s29+s19] =	stream.strided.scatter [tilespmem:s30], [sflag:$0x3], $0x400, s20, s19, $0x38;
	[tilespmem:$0x10A00] =	vst v63  }
0x11c: {  	s29 =	sadd.s32 $0xF180, s4;
	s30 =	simm.s32 $0x6600  }
0x11d: {  	[hbm4b:s29+s19] =	stream.strided.scatter [tilespmem:s30], [sflag:$0x3], $0x400, s20, s19, $0x38;
	[tilespmem:$0x10A00] =	vst v63  }
0x11e: {  	s8 =	sadd.s32 $0x12000, s4;
	s29 =	simm.s32 $0x6A00  }
0x11f: {  	[hbm4b:s8+s19] =	stream.strided.scatter [tilespmem:s29], [sflag:$0x3], $0x400, s20, s19, $0x38;
	[tilespmem:$0x10A00] =	vst v63  }
0x120: {  	s30 =	sadd.s32 $0x80, s8;
	s29 =	simm.s32 $0x6E00  }
0x121: {  	[hbm4b:s30+s19] =	stream.strided.scatter [tilespmem:s29], [sflag:$0x3], $0x400, s20, s19, $0x38;
	[tilespmem:$0x10A00] =	vst v63  }
0x122: {  	s28 =	sadd.s32 $0x100, s8;
	s30 =	simm.s32 $0x7200  }
0x123: {  	[hbm4b:s28+s19] =	stream.strided.scatter [tilespmem:s30], [sflag:$0x3], $0x400, s20, s19, $0x38;
	[tilespmem:$0x10A00] =	vst v63  }
0x124: {  	s8 =	sadd.s32 $0x180, s8;
	s30 =	simm.s32 $0x7600  }
0x125: {  	[hbm4b:s8+s19] =	stream.strided.scatter [tilespmem:s30], [sflag:$0x3], $0x400, s20, s19, $0x38;
	[tilespmem:$0x10A00] =	vst v63  }
0x126: {  	s4 =	sadd.s32 $0x15000, s4;
	s29 =	simm.s32 $0x7A00  }
0x127: {  	[hbm4b:s4+s19] =	stream.strided.scatter [tilespmem:s29], [sflag:$0x3], $0x400, s20, s19, $0x38;
	[tilespmem:$0x10A00] =	vst v63  }
0x128: {  	p0 =	seq.s32 s24, $0x13;
	s30 =	sadd.s32 $0x80, s4;
	s29 =	simm.s32 $0x7E00  }
0x129: {  	[hbm4b:s30+s19] =	stream.strided.scatter [tilespmem:s29], [sflag:$0x3], $0x400, s20, s19, $0x38;
	[tilespmem:$0x10A00] =	vst v63  }
.Ltmp3:
0x12a: {  	_ = 	snop;
	(pc) =	sbr.rel @p0 .LBB2_6-.Ltmp3, $4  }
0x12b: {  	s30 =	sadd.s32 $0x100, s4;
	s29 =	simm.s32 $0x8200  }
0x12c: {  	[hbm4b:s30+s19] =	stream.strided.scatter [tilespmem:s29], [sflag:$0x3], $0x400, s20, s19, $0x38;
	[tilespmem:$0x10A00] =	vst v63  }
0x12d: {  	s4 =	sadd.s32 $0x180, s4;
	s30 =	simm.s32 $0x8600  }
0x12e: {  	[hbm4b:s4+s19] =	stream.strided.scatter [tilespmem:s30], [sflag:$0x3], $0x400, s20, s19, $0x38;
	[tilespmem:$0x10A00] =	vst v63  }
0x12f: {  	s4 =	simm.s32 $0x3  }
0x130: {  	_ =	swait.ge [sflag:s4], $0x8000  }
0x131: {  	[sflag:s4] =	ssyncset.done $0x0  }
0x132: {  	[sflag:s4] =	ssyncadd.s32 $0xFFFF8000;
	s4 =	sshrl.u32 s25, $0x2  }
0x133: {  	v3 =	vld [tilespmem:s4+$0x80];
	_ =	sdelay $0x4  }
0x134: {  	v4 =	vshll.u32 v3, $0x2  }
0x135: {  	v3 =	vand.u32 $0x7, v3;
	v4 =	vand.u32 $0xFFFFFFE0, v4  }
0x136: {  	v3 =	vor.u32 v3, v4  }
0x137: {  	v4 =	vperm.xlane v3, v0;
	_ =	sdelay $0x1  }
0x138: {  	v4 =	vadd.s32 v1, v4;
	_ =	sdelay $0x1  }
0x139: {  	v3 =	vperm.xlane v3, v2;
	_ =	sdelay $0x1  }
0x13a: {  	s8 =	simm.s32 $0xA00;
	v3 =	vadd.s32 v1, v3  }
0x13b: {  	[tilespmem:s8], [sflag:$0x1] =	stream.indirect_vreg.gather [hbm4b:s2+s3], $0x80, v4, vm0, $0xb8;
	[tilespmem:$0x10A00] =	vst v63  }
0x13c: {  	s29 =	simm.s32 $0x1200  }
0x13d: {  	[tilespmem:s29], [sflag:$0x1] =	stream.indirect_vreg.gather [hbm4b:s7+s3], $0x80, v4, vm0, $0xb8;
	[tilespmem:$0x10A00] =	vst v63  }
0x13e: {  	s30 =	simm.s32 $0x1A00  }
0x13f: {  	[tilespmem:s30], [sflag:$0x1] =	stream.indirect_vreg.gather [hbm4b:s2+s3], $0x80, v3, vm0, $0xb8;
	[tilespmem:$0x10A00] =	vst v63  }
0x140: {  	s28 =	simm.s32 $0x2200  }
0x141: {  	[tilespmem:s28], [sflag:$0x1] =	stream.indirect_vreg.gather [hbm4b:s7+s3], $0x80, v3, vm0, $0xb8;
	[tilespmem:$0x10A00] =	vst v63  }
0x142: {  	v3 =	vld [tilespmem:s4+$0x90];
	_ =	sdelay $0x4  }
0x143: {  	v61 =	vshll.u32 v3, $0x2  }
0x144: {  	v3 =	vand.u32 $0x7, v3;
	v4 =	vand.u32 $0xFFFFFFE0, v61  }
0x145: {  	v3 =	vor.u32 v3, v4  }
0x146: {  	v4 =	vperm.xlane v3, v0;
	_ =	sdelay $0x1  }
0x147: {  	v4 =	vadd.s32 v1, v4;
	_ =	sdelay $0x1  }
0x148: {  	v3 =	vperm.xlane v3, v2;
	_ =	sdelay $0x1  }
0x149: {  	s29 =	simm.s32 $0x2A00;
	v3 =	vadd.s32 v1, v3  }
0x14a: {  	[tilespmem:s29], [sflag:$0x1] =	stream.indirect_vreg.gather [hbm4b:s2+s3], $0x80, v4, vm0, $0xb8;
	[tilespmem:$0x10A00] =	vst v63  }
0x14b: {  	s30 =	simm.s32 $0x3200  }
0x14c: {  	[tilespmem:s30], [sflag:$0x1] =	stream.indirect_vreg.gather [hbm4b:s7+s3], $0x80, v4, vm0, $0xb8;
	[tilespmem:$0x10A00] =	vst v63  }
0x14d: {  	s28 =	simm.s32 $0x3A00  }
0x14e: {  	[tilespmem:s28], [sflag:$0x1] =	stream.indirect_vreg.gather [hbm4b:s2+s3], $0x80, v3, vm0, $0xb8;
	[tilespmem:$0x10A00] =	vst v63  }
0x14f: {  	s29 =	simm.s32 $0x4200  }
0x150: {  	[tilespmem:s29], [sflag:$0x1] =	stream.indirect_vreg.gather [hbm4b:s7+s3], $0x80, v3, vm0, $0xb8;
	[tilespmem:$0x10A00] =	vst v63  }
0x151: {  	v3 =	vld [tilespmem:s4+$0xA0];
	_ =	sdelay $0x4  }
0x152: {  	v62 =	vshll.u32 v3, $0x2  }
0x153: {  	v3 =	vand.u32 $0x7, v3;
	v4 =	vand.u32 $0xFFFFFFE0, v62  }
0x154: {  	v3 =	vor.u32 v3, v4  }
0x155: {  	v4 =	vperm.xlane v3, v0;
	_ =	sdelay $0x1  }
0x156: {  	v4 =	vadd.s32 v1, v4;
	_ =	sdelay $0x1  }
0x157: {  	v3 =	vperm.xlane v3, v2;
	_ =	sdelay $0x1  }
0x158: {  	s30 =	simm.s32 $0x4A00;
	v3 =	vadd.s32 v1, v3  }
0x159: {  	[tilespmem:s30], [sflag:$0x1] =	stream.indirect_vreg.gather [hbm4b:s2+s3], $0x80, v4, vm0, $0xb8;
	[tilespmem:$0x10A00] =	vst v63  }
0x15a: {  	s28 =	simm.s32 $0x5200  }
0x15b: {  	[tilespmem:s28], [sflag:$0x1] =	stream.indirect_vreg.gather [hbm4b:s7+s3], $0x80, v4, vm0, $0xb8;
	[tilespmem:$0x10A00] =	vst v63  }
0x15c: {  	s29 =	simm.s32 $0x5A00  }
0x15d: {  	[tilespmem:s29], [sflag:$0x1] =	stream.indirect_vreg.gather [hbm4b:s2+s3], $0x80, v3, vm0, $0xb8;
	[tilespmem:$0x10A00] =	vst v63  }
0x15e: {  	s30 =	simm.s32 $0x6200  }
0x15f: {  	[tilespmem:s30], [sflag:$0x1] =	stream.indirect_vreg.gather [hbm4b:s7+s3], $0x80, v3, vm0, $0xb8;
	[tilespmem:$0x10A00] =	vst v63  }
0x160: {  	v3 =	vld [tilespmem:s4+$0xB0];
	_ =	sdelay $0x4  }
0x161: {  	v63 =	vshll.u32 v3, $0x2  }
0x162: {  	v3 =	vand.u32 $0x7, v3;
	v4 =	vand.u32 $0xFFFFFFE0, v63  }
0x163: {  	v3 =	vor.u32 v3, v4  }
0x164: {  	v4 =	vperm.xlane v3, v0;
	_ =	sdelay $0x1  }
0x165: {  	v4 =	vadd.s32 v1, v4;
	_ =	sdelay $0x1  }
0x166: {  	v3 =	vperm.xlane v3, v2;
	_ =	sdelay $0x1  }
0x167: {  	s8 =	simm.s32 $0x6A00;
	v3 =	vadd.s32 v1, v3  }
0x168: {  	[tilespmem:s8], [sflag:$0x1] =	stream.indirect_vreg.gather [hbm4b:s2+s3], $0x80, v4, vm0, $0xb8;
	[tilespmem:$0x10A00] =	vst v63  }
0x169: {  	s28 =	simm.s32 $0x7200  }
0x16a: {  	[tilespmem:s28], [sflag:$0x1] =	stream.indirect_vreg.gather [hbm4b:s7+s3], $0x80, v4, vm0, $0xb8;
	[tilespmem:$0x10A00] =	vst v63  }
0x16b: {  	s29 =	simm.s32 $0x7A00  }
0x16c: {  	[tilespmem:s29], [sflag:$0x1] =	stream.indirect_vreg.gather [hbm4b:s2+s3], $0x80, v3, vm0, $0xb8;
	[tilespmem:$0x10A00] =	vst v63  }
0x16d: {  	s30 =	simm.s32 $0x8200  }
0x16e: {  	[tilespmem:s30], [sflag:$0x1] =	stream.indirect_vreg.gather [hbm4b:s7+s3], $0x80, v3, vm0, $0xb8;
	[tilespmem:$0x10A00] =	vst v63  }
.LBB2_6:
0x16f: {  	_ =	swait.ge [sflag:s21], $0x8000;
	s4 =	simm.s32 $0x0  }
0x170: {  	[sflag:s21] =	ssyncset.done $0x0;
	s8 =	sand.u32 $0x7000, s4;
	s4 =	sand.u32 $0x380, s4  }
0x171: {  	[sflag:s21] =	ssyncadd.s32 $0xFFFF8000;
	s4 =	sor.u32 s4, s8  }
0x172: {  	v3 =	vld [tilespmem:s4+$0x8E70]  }
0x173: {  	v4 =	vld [tilespmem:s4+$0x9200]  }
0x174: {  	v5 =	vld [tilespmem:s4+$0x9210]  }
0x175: {  	v6 =	vld [tilespmem:s4+$0x8E60]  }
0x176: {  	v7 =	vld [tilespmem:s4+$0x8E50]  }
0x177: {  	v8 =	vld [tilespmem:s4+$0x9220]  }
0x178: {  	v9 =	vld [tilespmem:s4+$0x8E40]  }
0x179: {  	v10 =	vld [tilespmem:s4+$0x9670]  }
0x17a: {  	v11 =	vld [tilespmem:s4+$0x9610]  }
0x17b: {  	v12 =	vld [tilespmem:s4+$0x9650]  }
0x17c: {  	v16 =	vld [tilespmem:s4+$0x9230]  }
0x17d: {  	v17 =	vld [tilespmem:s4+$0x9240]  }
0x17e: {  	v14 =	vld [tilespmem:s4+$0x9600]  }
0x17f: {  	v13 =	vld [tilespmem:s4+$0x9640]  }
0x180: {  	v15 =	vld [tilespmem:s4+$0x8E30];
	v11 =	vmul.f32 $2.262741660e+01, v11  }
0x181: {  	v18 =	vld [tilespmem:s4+$0x8E20];
	v10 =	vmul.f32 $2.262741660e+01, v10  }
0x182: {  	v19 =	vld [tilespmem:s4+$0x8E10];
	v12 =	vmul.f32 $2.262741660e+01, v12;
	[tilespmem:s4+$0x9610] =	vst v11  }
0x183: {  	v20 =	vld [tilespmem:s4+$0x8A60];
	v14 =	vmul.f32 $2.262741660e+01, v14;
	[tilespmem:s4+$0x9670] =	vst v10  }
0x184: {  	v24 =	vld [tilespmem:s4+$0x8A00];
	v11 =	vmul.f32 $2.262741660e+01, v13;
	[tilespmem:s4+$0x9650] =	vst v12  }
0x185: {  	v15 =	vmul.f32 $2.262741660e+01, v15;
	v10 =	vld [tilespmem:s4+$0x9620];
	[tilespmem:s4+$0x9600] =	vst v14  }
0x186: {  	v13 =	vld [tilespmem:s4+$0x8E00];
	[tilespmem:s4+$0x9640] =	vst v11;
	v11 =	vmul.f32 $2.262741660e+01, v18  }
0x187: {  	v12 =	vld [tilespmem:s4+$0x8A70];
	[tilespmem:s4+$0x8E30] =	vst v15;
	v18 =	vmul.f32 $2.262741660e+01, v9;
	v9 =	vmul.f32 $2.262741660e+01, v19  }
0x188: {  	v22 =	vld [tilespmem:s4+$0x9260];
	v21 =	vmul.f32 $2.262741660e+01, v7;
	v20 =	vmul.f32 $2.262741660e+01, v20;
	[tilespmem:s4+$0x8E20] =	vst v11  }
0x189: {  	v23 =	vld [tilespmem:s4+$0x9270];
	v11 =	vmul.f32 $2.262741660e+01, v6;
	[tilespmem:s4+$0x8E10] =	vst v9;
	v9 =	vmul.f32 $2.262741660e+01, v8  }
0x18a: {  	[tilespmem:s4+$0x8A60] =	vst v20;
	v19 =	vld [tilespmem:s4+$0x9250];
	v8 =	vmul.f32 $2.262741660e+01, v24;
	v7 =	vmul.f32 $2.262741660e+01, v10  }
0x18b: {  	v14 =	vld [tilespmem:s4+$0x8A10];
	[tilespmem:s4+$0x8E50] =	vst v21;
	v6 =	vmul.f32 $2.262741660e+01, v13;
	v10 =	vmul.f32 $2.262741660e+01, v3  }
0x18c: {  	v15 =	vld [tilespmem:s4+$0x8A40];
	[tilespmem:s4+$0x8E40] =	vst v18;
	v3 =	vmul.f32 $2.262741660e+01, v12;
	v12 =	vmul.f32 $2.262741660e+01, v4  }
0x18d: {  	v13 =	vmul.f32 $2.262741660e+01, v5;
	v4 =	vmul.f32 $2.262741660e+01, v16;
	v16 =	vld [tilespmem:s4+$0x8A20];
	[tilespmem:s4+$0x9620] =	vst v7  }
0x18e: {  	v5 =	vmul.f32 $2.262741660e+01, v22;
	[tilespmem:s4+$0x8E00] =	vst v6;
	v7 =	vmul.f32 $2.262741660e+01, v17;
	v17 =	vld [tilespmem:s4+$0x8A30]  }
0x18f: {  	s28 =	simm.s32 $0x80;
	s8 =	simm.s32 $0x200;
	v18 =	vld [tilespmem:s4+$0x9630];
	[tilespmem:s4+$0x8A70] =	vst v3;
	v6 =	vmul.f32 $2.262741660e+01, v19;
	v3 =	vmul.f32 $2.262741660e+01, v23  }
.LBB2_7:
0x190: {  	s29 =	sand.u32 $0x7000, s8;
	s30 =	sand.u32 $0x380, s28;
	v14 =	vmul.f32 $2.262741660e+01, v14;
	[tilespmem:s4+$0x8E60] =	vst v11;
	v11 =	vld [tilespmem:s4+$0x9660]  }
0x191: {  	p1 =	sne.s32 s8, $0x7E00;
	s8 =	sadd.s32 $0x200, s8;
	s29 =	sor.u32 s30, s29;
	v15 =	vmul.f32 $2.262741660e+01, v15;
	v19 =	vld [tilespmem:s4+$0x8A50];
	[tilespmem:s4+$0x8E70] =	vst v10  }
0x192: {  	v10 =	vld [tilespmem:s29+$0x8E70];
	v16 =	vmul.f32 $2.262741660e+01, v16;
	[tilespmem:s4+$0x9200] =	vst v12  }
0x193: {  	v12 =	vld [tilespmem:s29+$0x9200];
	v17 =	vmul.f32 $2.262741660e+01, v17;
	[tilespmem:s4+$0x9210] =	vst v13  }
0x194: {  	v13 =	vld [tilespmem:s29+$0x9210];
	[tilespmem:s4+$0x8A20] =	vst v16;
	v16 =	vmul.f32 $2.262741660e+01, v18  }
0x195: {  	v18 =	vld [tilespmem:s29+$0x8E60];
	[tilespmem:s4+$0x8A30] =	vst v17;
	v11 =	vmul.f32 $2.262741660e+01, v11  }
0x196: {  	v17 =	vld [tilespmem:s29+$0x8E50];
	v19 =	vmul.f32 $2.262741660e+01, v19;
	[tilespmem:s4+$0x9220] =	vst v9  }
0x197: {  	v9 =	vld [tilespmem:s29+$0x9220];
	[tilespmem:s4+$0x9630] =	vst v16  }
0x198: {  	v16 =	vld [tilespmem:s29+$0x8E40];
	[tilespmem:s4+$0x8A50] =	vst v19  }
0x199: {  	v19 =	vld [tilespmem:s29+$0x9670];
	[tilespmem:s4+$0x8A40] =	vst v15  }
0x19a: {  	v15 =	vld [tilespmem:s29+$0x9610];
	[tilespmem:s4+$0x9660] =	vst v11  }
0x19b: {  	v11 =	vld [tilespmem:s29+$0x9650];
	[tilespmem:s4+$0x9230] =	vst v4  }
0x19c: {  	v4 =	vld [tilespmem:s29+$0x9230];
	[tilespmem:s4+$0x9240] =	vst v7  }
0x19d: {  	v7 =	vld [tilespmem:s29+$0x9240];
	[tilespmem:s4+$0x8A10] =	vst v14  }
0x19e: {  	v14 =	vld [tilespmem:s29+$0x9640];
	[tilespmem:s4+$0x9250] =	vst v6  }
0x19f: {  	v19 =	vmul.f32 $2.262741660e+01, v19;
	v6 =	vld [tilespmem:s29+$0x9600];
	[tilespmem:s4+$0x9260] =	vst v5  }
0x1a0: {  	v5 =	vld [tilespmem:s29+$0x8E30];
	[tilespmem:s4+$0x8A00] =	vst v8  }
0x1a1: {  	v15 =	vmul.f32 $2.262741660e+01, v15;
	v8 =	vld [tilespmem:s29+$0x8E20];
	[tilespmem:s4+$0x9270] =	vst v3;
	s4 =	smov.u32 s29  }
0x1a2: {  	v11 =	vmul.f32 $2.262741660e+01, v11;
	v3 =	vld [tilespmem:s4+$0x8E10];
	[tilespmem:s4+$0x9670] =	vst v19  }
0x1a3: {  	v19 =	vmul.f32 $2.262741660e+01, v16;
	[tilespmem:s4+$0x9610] =	vst v15;
	v15 =	vld [tilespmem:s4+$0x9620];
	v14 =	vmul.f32 $2.262741660e+01, v14  }
0x1a4: {  	v20 =	vmul.f32 $2.262741660e+01, v17;
	v16 =	vld [tilespmem:s4+$0x8E00];
	v6 =	vmul.f32 $2.262741660e+01, v6;
	[tilespmem:s4+$0x9650] =	vst v11  }
0x1a5: {  	v11 =	vmul.f32 $2.262741660e+01, v18;
	v17 =	vld [tilespmem:s4+$0x8A70];
	v5 =	vmul.f32 $2.262741660e+01, v5;
	[tilespmem:s4+$0x9640] =	vst v14  }
0x1a6: {  	v10 =	vmul.f32 $2.262741660e+01, v10;
	v18 =	vld [tilespmem:s4+$0x8A60];
	v8 =	vmul.f32 $2.262741660e+01, v8;
	[tilespmem:s4+$0x9600] =	vst v6  }
0x1a7: {  	v12 =	vmul.f32 $2.262741660e+01, v12;
	v3 =	vmul.f32 $2.262741660e+01, v3;
	[tilespmem:s4+$0x8E30] =	vst v5;
	v5 =	vld [tilespmem:s4+$0x9250]  }
0x1a8: {  	v13 =	vmul.f32 $2.262741660e+01, v13;
	[tilespmem:s4+$0x8E20] =	vst v8;
	v8 =	vld [tilespmem:s4+$0x9260];
	v6 =	vmul.f32 $2.262741660e+01, v15  }
0x1a9: {  	v9 =	vmul.f32 $2.262741660e+01, v9;
	v15 =	vmul.f32 $2.262741660e+01, v16;
	[tilespmem:s4+$0x8E10] =	vst v3;
	v3 =	vld [tilespmem:s4+$0x9270]  }
0x1aa: {  	v4 =	vmul.f32 $2.262741660e+01, v4;
	v21 =	vld [tilespmem:s4+$0x8A00];
	v16 =	vmul.f32 $2.262741660e+01, v17;
	[tilespmem:s4+$0x9620] =	vst v6  }
.Ltmp4:
0x1ab: {  	v7 =	vmul.f32 $2.262741660e+01, v7;
	v14 =	vld [tilespmem:s4+$0x8A10];
	v17 =	vmul.f32 $2.262741660e+01, v18;
	[tilespmem:s4+$0x8E00] =	vst v15;
	(pc) =	sbr.rel @p1 .LBB2_7-.Ltmp4, $4  }
0x1ac: {  	v15 =	vld [tilespmem:s4+$0x8A40];
	[tilespmem:s4+$0x8A70] =	vst v16;
	v6 =	vmul.f32 $2.262741660e+01, v5  }
0x1ad: {  	v16 =	vld [tilespmem:s4+$0x8A20];
	[tilespmem:s4+$0x8A60] =	vst v17;
	v5 =	vmul.f32 $2.262741660e+01, v8  }
0x1ae: {  	v17 =	vld [tilespmem:s4+$0x8A30];
	[tilespmem:s4+$0x8E40] =	vst v19;
	v3 =	vmul.f32 $2.262741660e+01, v3  }
0x1af: {  	s28 =	sadd.s32 $0x80, s28;
	v8 =	vmul.f32 $2.262741660e+01, v21;
	[tilespmem:s4+$0x8E50] =	vst v20;
	v18 =	vld [tilespmem:s4+$0x9630]  }
0x1b0: {  	[tilespmem:s4+$0x8E60] =	vst v11  }
0x1b1: {  	[tilespmem:s4+$0x8E70] =	vst v10  }
0x1b2: {  	[tilespmem:s4+$0x9200] =	vst v12  }
0x1b3: {  	[tilespmem:s4+$0x9210] =	vst v13  }
0x1b4: {  	[tilespmem:s4+$0x9220] =	vst v9  }
0x1b5: {  	[tilespmem:s4+$0x9230] =	vst v4  }
0x1b6: {  	[tilespmem:s4+$0x9240] =	vst v7  }
0x1b7: {  	[tilespmem:s4+$0x9250] =	vst v6  }
0x1b8: {  	[tilespmem:s4+$0x9260] =	vst v5  }
0x1b9: {  	v56 =	vld [tilespmem:s4+$0x8A50];
	v63 =	vmul.f32 $2.262741660e+01, v14;
	[tilespmem:s4+$0x9270] =	vst v3  }
0x1ba: {  	v58 =	vld [tilespmem:s4+$0x9660];
	v61 =	vmul.f32 $2.262741660e+01, v15;
	[tilespmem:s4+$0x8A00] =	vst v8  }
0x1bb: {  	v57 =	vmul.f32 $2.262741660e+01, v16;
	[tilespmem:s4+$0x8A10] =	vst v63  }
0x1bc: {  	v59 =	vmul.f32 $2.262741660e+01, v17;
	[tilespmem:s4+$0x8A40] =	vst v61  }
0x1bd: {  	s8 =	rddreg [dreg:$0x6];
	[tilespmem:s4+$0x8A20] =	vst v57;
	v60 =	vmul.f32 $2.262741660e+01, v18  }
0x1be: {  	s8 =	sor.u32 s8, s22;
	[tilespmem:s4+$0x8A30] =	vst v59;
	v11 =	vmul.f32 $2.262741660e+01, v56  }
0x1bf: {  	s8 =	sor.u32 s26, s8;
	v62 =	vmul.f32 $2.262741660e+01, v58;
	[tilespmem:s4+$0x9630] =	vst v60  }
0x1c0: {  	s8 =	sshrl.u32 s8, $0x3;
	[tilespmem:s4+$0x8A50] =	vst v11  }
0x1c1: {  	s26 =	simm.s32 $0x8A00;
	[tilespmem:s4+$0x9660] =	vst v62;
	s4 =	sadd.s32 s5, s8  }
0x1c2: {  	[hbm4b:s4+s19] =	stream.strided.scatter [tilespmem:s26], [sflag:$0x4], $0x400, s20, s19, $0x38;
	[tilespmem:$0x10A00] =	vst v63  }
0x1c3: {  	s30 =	simm.s32 $0x8E00;
	s8 =	sadd.s32 $0x80, s4  }
0x1c4: {  	[hbm4b:s8+s19] =	stream.strided.scatter [tilespmem:s30], [sflag:$0x4], $0x400, s20, s19, $0x38;
	[tilespmem:$0x10A00] =	vst v63  }
0x1c5: {  	s28 =	simm.s32 $0x9200;
	s30 =	sadd.s32 $0x100, s4  }
0x1c6: {  	[hbm4b:s30+s19] =	stream.strided.scatter [tilespmem:s28], [sflag:$0x4], $0x400, s20, s19, $0x38;
	[tilespmem:$0x10A00] =	vst v63  }
0x1c7: {  	s22 =	sadd.s32 $0x180, s4;
	s30 =	simm.s32 $0x9600  }
0x1c8: {  	[hbm4b:s22+s19] =	stream.strided.scatter [tilespmem:s30], [sflag:$0x4], $0x400, s20, s19, $0x38;
	[tilespmem:$0x10A00] =	vst v63  }
0x1c9: {  	s29 =	simm.s32 $0x9A00;
	s30 =	sadd.s32 $0x3000, s4  }
0x1ca: {  	[hbm4b:s30+s19] =	stream.strided.scatter [tilespmem:s29], [sflag:$0x4], $0x400, s20, s19, $0x38;
	[tilespmem:$0x10A00] =	vst v63  }
0x1cb: {  	s22 =	sadd.s32 $0x3080, s4;
	s30 =	simm.s32 $0x9E00  }
0x1cc: {  	[hbm4b:s22+s19] =	stream.strided.scatter [tilespmem:s30], [sflag:$0x4], $0x400, s20, s19, $0x38;
	[tilespmem:$0x10A00] =	vst v63  }
0x1cd: {  	s30 =	sadd.s32 $0x3100, s4  }
0x1ce: {  	[hbm4b:s30+s19] =	stream.strided.scatter [tilespmem:s31], [sflag:$0x4], $0x400, s20, s19, $0x38;
	[tilespmem:$0x10A00] =	vst v63  }
0x1cf: {  	s22 =	sadd.s32 $0x3180, s4;
	s30 =	simm.s32 $0xA600  }
0x1d0: {  	[hbm4b:s22+s19] =	stream.strided.scatter [tilespmem:s30], [sflag:$0x4], $0x400, s20, s19, $0x38;
	[tilespmem:$0x10A00] =	vst v63  }
0x1d1: {  	s30 =	sadd.s32 $0x6000, s4  }
0x1d2: {  	[hbm4b:s30+s19] =	stream.strided.scatter [tilespmem:s0], [sflag:$0x4], $0x400, s20, s19, $0x38;
	[tilespmem:$0x10A00] =	vst v63  }
0x1d3: {  	s22 =	sadd.s32 $0x6080, s4;
	s30 =	simm.s32 $0xAE00  }
0x1d4: {  	[hbm4b:s22+s19] =	stream.strided.scatter [tilespmem:s30], [sflag:$0x4], $0x400, s20, s19, $0x38;
	[tilespmem:$0x10A00] =	vst v63  }
0x1d5: {  	s30 =	sadd.s32 $0x6100, s4  }
0x1d6: {  	[hbm4b:s30+s19] =	stream.strided.scatter [tilespmem:s1], [sflag:$0x4], $0x400, s20, s19, $0x38;
	[tilespmem:$0x10A00] =	vst v63  }
0x1d7: {  	s22 =	sadd.s32 $0x6180, s4;
	s30 =	simm.s32 $0xB600  }
0x1d8: {  	[hbm4b:s22+s19] =	stream.strided.scatter [tilespmem:s30], [sflag:$0x4], $0x400, s20, s19, $0x38;
	[tilespmem:$0x10A00] =	vst v63  }
0x1d9: {  	s30 =	sadd.s32 $0x9000, s4  }
0x1da: {  	[hbm4b:s30+s19] =	stream.strided.scatter [tilespmem:s6], [sflag:$0x4], $0x400, s20, s19, $0x38;
	[tilespmem:$0x10A00] =	vst v63  }
0x1db: {  	s22 =	sadd.s32 $0x9080, s4;
	s30 =	simm.s32 $0xBE00  }
0x1dc: {  	[hbm4b:s22+s19] =	stream.strided.scatter [tilespmem:s30], [sflag:$0x4], $0x400, s20, s19, $0x38;
	[tilespmem:$0x10A00] =	vst v63  }
0x1dd: {  	s30 =	sadd.s32 $0x9100, s4  }
0x1de: {  	[hbm4b:s30+s19] =	stream.strided.scatter [tilespmem:s9], [sflag:$0x4], $0x400, s20, s19, $0x38;
	[tilespmem:$0x10A00] =	vst v63  }
0x1df: {  	s22 =	sadd.s32 $0x9180, s4;
	s30 =	simm.s32 $0xC600  }
0x1e0: {  	[hbm4b:s22+s19] =	stream.strided.scatter [tilespmem:s30], [sflag:$0x4], $0x400, s20, s19, $0x38;
	[tilespmem:$0x10A00] =	vst v63  }
0x1e1: {  	s30 =	sadd.s32 $0xC000, s4  }
0x1e2: {  	[hbm4b:s30+s19] =	stream.strided.scatter [tilespmem:s10], [sflag:$0x4], $0x400, s20, s19, $0x38;
	[tilespmem:$0x10A00] =	vst v63  }
0x1e3: {  	s22 =	sadd.s32 $0xC080, s4;
	s30 =	simm.s32 $0xCE00  }
0x1e4: {  	[hbm4b:s22+s19] =	stream.strided.scatter [tilespmem:s30], [sflag:$0x4], $0x400, s20, s19, $0x38;
	[tilespmem:$0x10A00] =	vst v63  }
0x1e5: {  	s30 =	sadd.s32 $0xC100, s4  }
0x1e6: {  	[hbm4b:s30+s19] =	stream.strided.scatter [tilespmem:s11], [sflag:$0x4], $0x400, s20, s19, $0x38;
	[tilespmem:$0x10A00] =	vst v63  }
0x1e7: {  	s22 =	sadd.s32 $0xC180, s4;
	s30 =	simm.s32 $0xD600  }
0x1e8: {  	[hbm4b:s22+s19] =	stream.strided.scatter [tilespmem:s30], [sflag:$0x4], $0x400, s20, s19, $0x38;
	[tilespmem:$0x10A00] =	vst v63  }
0x1e9: {  	s30 =	sadd.s32 $0xF000, s4  }
0x1ea: {  	[hbm4b:s30+s19] =	stream.strided.scatter [tilespmem:s12], [sflag:$0x4], $0x400, s20, s19, $0x38;
	[tilespmem:$0x10A00] =	vst v63  }
0x1eb: {  	s22 =	sadd.s32 $0xF080, s4;
	s30 =	simm.s32 $0xDE00  }
0x1ec: {  	[hbm4b:s22+s19] =	stream.strided.scatter [tilespmem:s30], [sflag:$0x4], $0x400, s20, s19, $0x38;
	[tilespmem:$0x10A00] =	vst v63  }
0x1ed: {  	s30 =	sadd.s32 $0xF100, s4  }
0x1ee: {  	[hbm4b:s30+s19] =	stream.strided.scatter [tilespmem:s13], [sflag:$0x4], $0x400, s20, s19, $0x38;
	[tilespmem:$0x10A00] =	vst v63  }
0x1ef: {  	s22 =	sadd.s32 $0xF180, s4;
	s30 =	simm.s32 $0xE600  }
0x1f0: {  	[hbm4b:s22+s19] =	stream.strided.scatter [tilespmem:s30], [sflag:$0x4], $0x400, s20, s19, $0x38;
	[tilespmem:$0x10A00] =	vst v63  }
0x1f1: {  	s8 =	sadd.s32 $0x12000, s4  }
0x1f2: {  	[hbm4b:s8+s19] =	stream.strided.scatter [tilespmem:s14], [sflag:$0x4], $0x400, s20, s19, $0x38;
	[tilespmem:$0x10A00] =	vst v63  }
0x1f3: {  	s22 =	sadd.s32 $0x80, s8;
	s30 =	simm.s32 $0xEE00  }
0x1f4: {  	[hbm4b:s22+s19] =	stream.strided.scatter [tilespmem:s30], [sflag:$0x4], $0x400, s20, s19, $0x38;
	[tilespmem:$0x10A00] =	vst v63  }
0x1f5: {  	s30 =	sadd.s32 $0x100, s8  }
0x1f6: {  	[hbm4b:s30+s19] =	stream.strided.scatter [tilespmem:s15], [sflag:$0x4], $0x400, s20, s19, $0x38;
	[tilespmem:$0x10A00] =	vst v63  }
0x1f7: {  	s8 =	sadd.s32 $0x180, s8;
	s30 =	simm.s32 $0xF600  }
0x1f8: {  	[hbm4b:s8+s19] =	stream.strided.scatter [tilespmem:s30], [sflag:$0x4], $0x400, s20, s19, $0x38;
	[tilespmem:$0x10A00] =	vst v63  }
0x1f9: {  	s4 =	sadd.s32 $0x15000, s4  }
0x1fa: {  	[hbm4b:s4+s19] =	stream.strided.scatter [tilespmem:s16], [sflag:$0x4], $0x400, s20, s19, $0x38;
	[tilespmem:$0x10A00] =	vst v63  }
0x1fb: {  	s22 =	sadd.s32 $0x80, s4;
	s30 =	simm.s32 $0xFE00  }
0x1fc: {  	[hbm4b:s22+s19] =	stream.strided.scatter [tilespmem:s30], [sflag:$0x4], $0x400, s20, s19, $0x38;
	[tilespmem:$0x10A00] =	vst v63  }
.Ltmp5:
0x1fd: {  	_ = 	snop;
	(pc) =	sbr.rel @p0 .LBB2_10-.Ltmp5, $4  }
0x1fe: {  	s22 =	sadd.s32 $0x100, s4  }
0x1ff: {  	[hbm4b:s22+s19] =	stream.strided.scatter [tilespmem:s17], [sflag:$0x4], $0x400, s20, s19, $0x38;
	[tilespmem:$0x10A00] =	vst v63  }
0x200: {  	s4 =	sadd.s32 $0x180, s4;
	s30 =	simm.s32 $0x10600  }
0x201: {  	[hbm4b:s4+s19] =	stream.strided.scatter [tilespmem:s30], [sflag:$0x4], $0x400, s20, s19, $0x38;
	[tilespmem:$0x10A00] =	vst v63  }
0x202: {  	_ =	swait.ge [sflag:s23], $0x8000  }
0x203: {  	[sflag:s23] =	ssyncset.done $0x0  }
0x204: {  	s4 =	sshrl.u32 s25, $0x2;
	[sflag:s23] =	ssyncadd.s32 $0xFFFF8000  }
0x205: {  	v3 =	vld [tilespmem:s4+$0xC0];
	_ =	sdelay $0x4  }
0x206: {  	v4 =	vshll.u32 v3, $0x2  }
0x207: {  	v3 =	vand.u32 $0x7, v3;
	v4 =	vand.u32 $0xFFFFFFE0, v4  }
0x208: {  	v3 =	vor.u32 v3, v4  }
0x209: {  	v4 =	vperm.xlane v3, v0;
	_ =	sdelay $0x1  }
0x20a: {  	v4 =	vadd.s32 v1, v4;
	_ =	sdelay $0x1  }
0x20b: {  	v3 =	vperm.xlane v3, v2;
	_ =	sdelay $0x1  }
0x20c: {  	v3 =	vadd.s32 v1, v3  }
0x20d: {  	[tilespmem:s26], [sflag:$0x2] =	stream.indirect_vreg.gather [hbm4b:s2+s3], $0x80, v4, vm0, $0xb8;
	[tilespmem:$0x10A00] =	vst v63  }
0x20e: {  	_ = 	snop  }
0x20f: {  	[tilespmem:s28], [sflag:$0x2] =	stream.indirect_vreg.gather [hbm4b:s7+s3], $0x80, v4, vm0, $0xb8;
	[tilespmem:$0x10A00] =	vst v63  }
0x210: {  	_ = 	snop  }
0x211: {  	[tilespmem:s29], [sflag:$0x2] =	stream.indirect_vreg.gather [hbm4b:s2+s3], $0x80, v3, vm0, $0xb8;
	[tilespmem:$0x10A00] =	vst v63  }
0x212: {  	_ = 	snop  }
0x213: {  	[tilespmem:s31], [sflag:$0x2] =	stream.indirect_vreg.gather [hbm4b:s7+s3], $0x80, v3, vm0, $0xb8;
	[tilespmem:$0x10A00] =	vst v63  }
0x214: {  	v3 =	vld [tilespmem:s4+$0xD0];
	_ =	sdelay $0x4  }
0x215: {  	v61 =	vshll.u32 v3, $0x2  }
0x216: {  	v3 =	vand.u32 $0x7, v3;
	v4 =	vand.u32 $0xFFFFFFE0, v61  }
0x217: {  	v3 =	vor.u32 v3, v4  }
0x218: {  	v4 =	vperm.xlane v3, v0;
	_ =	sdelay $0x1  }
0x219: {  	v4 =	vadd.s32 v1, v4;
	_ =	sdelay $0x1  }
0x21a: {  	v3 =	vperm.xlane v3, v2;
	_ =	sdelay $0x1  }
0x21b: {  	v3 =	vadd.s32 v1, v3  }
0x21c: {  	[tilespmem:s0], [sflag:$0x2] =	stream.indirect_vreg.gather [hbm4b:s2+s3], $0x80, v4, vm0, $0xb8;
	[tilespmem:$0x10A00] =	vst v63  }
0x21d: {  	_ = 	snop  }
0x21e: {  	[tilespmem:s1], [sflag:$0x2] =	stream.indirect_vreg.gather [hbm4b:s7+s3], $0x80, v4, vm0, $0xb8;
	[tilespmem:$0x10A00] =	vst v63  }
0x21f: {  	_ = 	snop  }
0x220: {  	[tilespmem:s6], [sflag:$0x2] =	stream.indirect_vreg.gather [hbm4b:s2+s3], $0x80, v3, vm0, $0xb8;
	[tilespmem:$0x10A00] =	vst v63  }
0x221: {  	_ = 	snop  }
0x222: {  	[tilespmem:s9], [sflag:$0x2] =	stream.indirect_vreg.gather [hbm4b:s7+s3], $0x80, v3, vm0, $0xb8;
	[tilespmem:$0x10A00] =	vst v63  }
0x223: {  	v3 =	vld [tilespmem:s4+$0xE0];
	_ =	sdelay $0x4  }
0x224: {  	v62 =	vshll.u32 v3, $0x2  }
0x225: {  	v3 =	vand.u32 $0x7, v3;
	v4 =	vand.u32 $0xFFFFFFE0, v62  }
0x226: {  	v3 =	vor.u32 v3, v4  }
0x227: {  	v4 =	vperm.xlane v3, v0;
	_ =	sdelay $0x1  }
0x228: {  	v4 =	vadd.s32 v1, v4;
	_ =	sdelay $0x1  }
0x229: {  	v3 =	vperm.xlane v3, v2;
	_ =	sdelay $0x1  }
0x22a: {  	v3 =	vadd.s32 v1, v3  }
0x22b: {  	[tilespmem:s10], [sflag:$0x2] =	stream.indirect_vreg.gather [hbm4b:s2+s3], $0x80, v4, vm0, $0xb8;
	[tilespmem:$0x10A00] =	vst v63  }
0x22c: {  	_ = 	snop  }
0x22d: {  	[tilespmem:s11], [sflag:$0x2] =	stream.indirect_vreg.gather [hbm4b:s7+s3], $0x80, v4, vm0, $0xb8;
	[tilespmem:$0x10A00] =	vst v63  }
0x22e: {  	_ = 	snop  }
0x22f: {  	[tilespmem:s12], [sflag:$0x2] =	stream.indirect_vreg.gather [hbm4b:s2+s3], $0x80, v3, vm0, $0xb8;
	[tilespmem:$0x10A00] =	vst v63  }
0x230: {  	_ = 	snop  }
0x231: {  	[tilespmem:s13], [sflag:$0x2] =	stream.indirect_vreg.gather [hbm4b:s7+s3], $0x80, v3, vm0, $0xb8;
	[tilespmem:$0x10A00] =	vst v63  }
0x232: {  	v3 =	vld [tilespmem:s4+$0xF0];
	_ =	sdelay $0x4  }
0x233: {  	v63 =	vshll.u32 v3, $0x2  }
0x234: {  	v3 =	vand.u32 $0x7, v3;
	v4 =	vand.u32 $0xFFFFFFE0, v63  }
0x235: {  	v3 =	vor.u32 v3, v4  }
0x236: {  	v4 =	vperm.xlane v3, v0;
	_ =	sdelay $0x1  }
0x237: {  	v4 =	vadd.s32 v1, v4;
	_ =	sdelay $0x2  }
0x238: {  	v3 =	vperm.xlane v3, v2;
	_ =	sdelay $0x1  }
0x239: {  	v3 =	vadd.s32 v1, v3;
	[tilespmem:s14], [sflag:$0x2] =	stream.indirect_vreg.gather [hbm4b:s2+s3], $0x80, v4, vm0, $0xb8;
	[tilespmem:$0x10A00] =	vst v63  }
0x23a: {  	_ = 	snop  }
0x23b: {  	[tilespmem:s15], [sflag:$0x2] =	stream.indirect_vreg.gather [hbm4b:s7+s3], $0x80, v4, vm0, $0xb8;
	[tilespmem:$0x10A00] =	vst v63  }
.Ltmp6:
0x23c: {  	_ = 	snop;
	(pc) =	sbr.rel .LBB2_2-.Ltmp6, $4  }
0x23d: {  	_ = 	snop  }
0x23e: {  	[tilespmem:s16], [sflag:$0x2] =	stream.indirect_vreg.gather [hbm4b:s2+s3], $0x80, v3, vm0, $0xb8;
	[tilespmem:$0x10A00] =	vst v63  }
0x23f: {  	s24 =	sadd.s32 $0x1, s24  }
0x240: {  	[tilespmem:s17], [sflag:$0x2] =	stream.indirect_vreg.gather [hbm4b:s7+s3], $0x80, v3, vm0, $0xb8;
	[tilespmem:$0x10A00] =	vst v63  }
.LBB2_11:
0x241: {  	_ =	sfence.sel $0x180000  }
0x242: {  	[bflag:$0x0] =	sbarrier.arrive $0xFFFF  }
0x243: {  	_ =	strace $0x90000047  }
0x244: {  	s0 =	stileid.u32;
	[bflag:$0x2] =	sbarrier.arrive $0xFFFF  }
0x245: {  	p0 =	sne.s32 s0, $0x0;
	s0 =	rddreg [dreg:$0x3]  }
0x246: {  	s0 =	sadd.s32 @!p0 $0x100000, s0  }
0x247: {  	[sflag:s0] =	ssyncadd.tile.s32 @!p0 $0x1;
	_ =	shalt  }
.Lfunc_end2:
_tile_overlayer_lowered:
.L_overlay_start_2:
0x248: {  	(tag) =	ssettag $0x2  }
0x249: {  	s0 =	rddreg [dreg:$0x0];
	s2 =	stileid.u32  }
0x24a: {  	s1 =	rddreg [dreg:$0x1];
	p0 =	sne.s32 s2, $0x0  }
0x24b: {  	s3 =	rddreg [dreg:$0x2];
	[bflag:$0x3] =	sbarrier.arrive $0xFFFF;
	s2 =	simm.s32 @!p0 $0x1C05  }
0x24c: {  	[timem:s3], [sflag:s2] =	dma.local @!p0 [hbm:s0], s1  }
0x24d: {  	s0 =	simm.s32 @!p0 $0x5  }
0x24e: {  	_ =	swait.ge @!p0 [sflag:s0], s1  }
0x24f: {  	s1 =	ssub.s32 @!p0 $0x0, s1;
	[sflag:s0] =	ssyncset.done @!p0 $0x0  }
0x250: {  	[sflag:s0] =	ssyncadd.s32 @!p0 s1  }
0x251: {  	[bflag:$0x3] =	sbarrier.arrive $0xFFFF  }
0x252: {  	_ =	shalt  }

</sc_bundles>
